<compile_context>
chip_gen: v7x
topology: tpu7x:2x2x1
jax: 0.10.2.dev20260603
libtpu: 0.0.44.dev20260713+nightly
codegen_flags: <defaults>
</compile_context>

<pallas_src>
import functools

import jax
import jax.numpy as jnp
from jax import lax
from jax.experimental import pallas as pl
from jax.experimental.pallas import tpu as pltpu
from jax.experimental.pallas import tpu_sc as plsc

_B = 16384
_V = 1_000_000
_D_MLP = 32
_D_MF = 16
_F = 2 * _D_MLP + 2 * _D_MF
_NC = 2
_NS = 16
_NW = _NC * _NS
_BPW = _B // _NW
_CH = 128
_NCH = _BPW // _CH

_COLS = 16384
_GRID_A = (_V + _COLS - 1) // _COLS


def _relayout_body(tu_ref, ti_ref, fu_ref, fi_ref, rep_ref, p_ref):
    x2 = jnp.concatenate(
        [tu_ref[...].reshape(_D_MLP, _COLS),
         ti_ref[...].reshape(_D_MLP, _COLS),
         fu_ref[...].reshape(_D_MF, _COLS),
         fi_ref[...].reshape(_D_MF, _COLS)], axis=0)
    p_ref[...] = lax.dot_general(x2, rep_ref[...], (((0,), (0,)), ((), ())),
                                 preferred_element_type=jnp.float32)


def _relayout(tu, ti, fu, fi):
    blk3 = lambda p: pl.BlockSpec((p, 8, _COLS), lambda n: (0, 0, n))
    rep = jnp.eye(_F, 128, dtype=jnp.float32)
    return pl.pallas_call(
        _relayout_body,
        grid=(_GRID_A,),
        in_specs=[blk3(4), blk3(4), blk3(2), blk3(2),
                  pl.BlockSpec((_F, 128), lambda n: (0, 0))],
        out_specs=pl.BlockSpec((_COLS, 128), lambda n: (n, 0)),
        out_shape=jax.ShapeDtypeStruct((_V, 128), jnp.float32),
    )(tu, ti, fu, fi, rep)


def _gather_body(u_hbm, i_hbm, t_p,
                 o_u, o_i,
                 ux, ix, b_u, b_i, sem):
    wid = lax.axis_index("s") * _NC + lax.axis_index("c")
    base = wid * _BPW
    for j in range(_NCH):
        sl = pl.ds(base + j * _CH, _CH)
        pltpu.sync_copy(u_hbm.at[sl], ux.at[j])
        pltpu.sync_copy(i_hbm.at[sl], ix.at[j])
    for j in range(_NCH):
        cps = [
            pltpu.async_copy(t_p.at[ux.at[j]], b_u, sem),
            pltpu.async_copy(t_p.at[ix.at[j]], b_i, sem),
        ]
        for cp in cps:
            cp.wait()
        sl = pl.ds(j * _CH, _CH)
        pltpu.sync_copy(b_u, o_u.at[wid].at[sl])
        pltpu.sync_copy(b_i, o_i.at[wid].at[sl])


@functools.lru_cache(maxsize=None)
def _make_gather():
  return functools.partial(
    pl.kernel,
    mesh=plsc.VectorSubcoreMesh(core_axis_name="c", subcore_axis_name="s"),
    out_type=[
        jax.ShapeDtypeStruct((_NW, _BPW, 128), jnp.float32),
        jax.ShapeDtypeStruct((_NW, _BPW, 128), jnp.float32),
    ],
    scratch_types=[
        pltpu.VMEM((_NCH, _CH), jnp.int32),
        pltpu.VMEM((_NCH, _CH), jnp.int32),
        pltpu.VMEM((_CH, 128), jnp.float32),
        pltpu.VMEM((_CH, 128), jnp.float32),
        pltpu.SemaphoreType.DMA,
    ],
  )(_gather_body)


def _mlp_body(um_ref, im_ref,
              w1u_ref, w1i_ref, b1_ref, w2_ref, b2_ref, w3_ref, b3_ref,
              wom_ref, wof_ref, bo_ref, out_ref):
    pu = um_ref[0]
    pi = im_ref[0]
    xu = pu[:, :_D_MLP]
    xi = pi[:, _D_MLP:2 * _D_MLP]
    mu = pu[:, 2 * _D_MLP:2 * _D_MLP + _D_MF]
    mi = pi[:, 2 * _D_MLP + _D_MF:_F]
    x = jnp.dot(xu, w1u_ref[...], preferred_element_type=jnp.float32)
    x = x + jnp.dot(xi, w1i_ref[...], preferred_element_type=jnp.float32)
    h = jnp.maximum(x + b1_ref[...], 0.0)
    h = jnp.maximum(
        jnp.dot(h, w2_ref[...], preferred_element_type=jnp.float32) + b2_ref[...], 0.0)
    h = jnp.maximum(
        jnp.dot(h, w3_ref[...], preferred_element_type=jnp.float32) + b3_ref[...], 0.0)
    mf = mu * mi
    logit = (jnp.dot(h, wom_ref[...], preferred_element_type=jnp.float32)
             + jnp.dot(mf, wof_ref[...], preferred_element_type=jnp.float32)
             + bo_ref[...])
    out_ref[...] = 1.0 / (1.0 + jnp.exp(-logit))


def _mlp(um, im, w1u, w1i, b1, w2, b2, w3, b3, wom, wof, bo):
    full = lambda n: (0, 0)
    row2 = lambda n: (n, 0)
    blk3 = lambda n: (n, 0, 0)
    return pl.pallas_call(
        _mlp_body,
        grid=(_NW,),
        in_specs=[
            pl.BlockSpec((1, _BPW, 128), blk3),
            pl.BlockSpec((1, _BPW, 128), blk3),
            pl.BlockSpec(w1u.shape, full),
            pl.BlockSpec(w1i.shape, full),
            pl.BlockSpec(b1.shape, full),
            pl.BlockSpec(w2.shape, full),
            pl.BlockSpec(b2.shape, full),
            pl.BlockSpec(w3.shape, full),
            pl.BlockSpec(b3.shape, full),
            pl.BlockSpec(wom.shape, full),
            pl.BlockSpec(wof.shape, full),
            pl.BlockSpec(bo.shape, full),
        ],
        out_specs=pl.BlockSpec((_BPW, 1), row2),
        out_shape=jax.ShapeDtypeStruct((_B, 1), jnp.float32),
    )(um, im, w1u, w1i, b1, w2, b2, w3, b3, wom, wof, bo)


def kernel(u, i, emb_user_mlp, emb_item_mlp, emb_user_mf, emb_item_mf,
           W1, b1, W2, b2, W3, b3, W_out, b_out):
    u = u.astype(jnp.int32)
    i = i.astype(jnp.int32)
    p_cat = _relayout(
        emb_user_mlp.T.reshape(4, 8, _V), emb_item_mlp.T.reshape(4, 8, _V),
        emb_user_mf.T.reshape(2, 8, _V), emb_item_mf.T.reshape(2, 8, _V))
    um, im = _make_gather()(u, i, p_cat)
    y = _mlp(um, im,
             W1[:_D_MLP], W1[_D_MLP:], b1.reshape(1, -1),
             W2, b2.reshape(1, -1), W3, b3.reshape(1, -1),
             W_out[:-_D_MF], W_out[-_D_MF:], b_out.reshape(1, 1))
    return y

# --- scband reference (transcript-rebuilt; emitter-appended) ---
"""Pipeline reference for scband-ncf-17721035063487 (READ-ONLY COPY).

The authoritative reference and input builder live on the scoring server;
editing this copy changes nothing except your own understanding.
"""

import jax, jax.numpy as jnp
import numpy as np

NUM_USERS = 1000000
NUM_ITEMS = 1000000
DIM_MF = 16
DIM_MLP = 32
BATCH = 16384
LAYERS = [64, 32, 16, 8]


def setup_inputs(seed: int = 0) -> dict:
    key = jax.random.key(seed)
    ks = jax.random.split(key, 16)
    u = jax.random.randint(ks[0], (BATCH,), 0, NUM_USERS)
    i = jax.random.randint(ks[1], (BATCH,), 0, NUM_ITEMS)
    emb_user_mlp = jax.random.normal(ks[2], (NUM_USERS, DIM_MLP), dtype=jnp.float32) * 0.05
    emb_item_mlp = jax.random.normal(ks[3], (NUM_ITEMS, DIM_MLP), dtype=jnp.float32) * 0.05
    emb_user_mf = jax.random.normal(ks[4], (NUM_USERS, DIM_MF), dtype=jnp.float32) * 0.05
    emb_item_mf = jax.random.normal(ks[5], (NUM_ITEMS, DIM_MF), dtype=jnp.float32) * 0.05
    W1 = jax.random.normal(ks[6], (LAYERS[0], LAYERS[1]), dtype=jnp.float32) * (1.0 / np.sqrt(LAYERS[0]))
    b1 = jnp.zeros((LAYERS[1],), dtype=jnp.float32)
    W2 = jax.random.normal(ks[7], (LAYERS[1], LAYERS[2]), dtype=jnp.float32) * (1.0 / np.sqrt(LAYERS[1]))
    b2 = jnp.zeros((LAYERS[2],), dtype=jnp.float32)
    W3 = jax.random.normal(ks[8], (LAYERS[2], LAYERS[3]), dtype=jnp.float32) * (1.0 / np.sqrt(LAYERS[2]))
    b3 = jnp.zeros((LAYERS[3],), dtype=jnp.float32)
    W_out = jax.random.normal(ks[9], (LAYERS[3] + DIM_MF, 1), dtype=jnp.float32) * (1.0 / np.sqrt(LAYERS[3] + DIM_MF))
    b_out = jnp.zeros((1,), dtype=jnp.float32)
    return {
        "u": u, "i": i,
        "emb_user_mlp": emb_user_mlp, "emb_item_mlp": emb_item_mlp,
        "emb_user_mf": emb_user_mf, "emb_item_mf": emb_item_mf,
        "W1": W1, "b1": b1, "W2": W2, "b2": b2, "W3": W3, "b3": b3,
        "W_out": W_out, "b_out": b_out,
    }


def reference(u, i, emb_user_mlp, emb_item_mlp, emb_user_mf, emb_item_mf,
              W1, b1, W2, b2, W3, b3, W_out, b_out):
    user_emb_mlp = jnp.take(emb_user_mlp, u, axis=0)
    item_emb_mlp = jnp.take(emb_item_mlp, i, axis=0)
    user_emb_mf = jnp.take(emb_user_mf, u, axis=0)
    item_emb_mf = jnp.take(emb_item_mf, i, axis=0)
    mlp_vector = jnp.concatenate([user_emb_mlp, item_emb_mlp], axis=-1)
    mf_vector = user_emb_mf * item_emb_mf
    mlp_vector = jax.nn.relu(mlp_vector @ W1 + b1)
    mlp_vector = jax.nn.relu(mlp_vector @ W2 + b2)
    mlp_vector = jax.nn.relu(mlp_vector @ W3 + b3)
    vector = jnp.concatenate([mlp_vector, mf_vector], axis=-1)
    logits = vector @ W_out + b_out
    y = jax.nn.sigmoid(logits)
    return y

if __name__ == "__main__":
    import jax
    _d = setup_inputs()
    print(jax.jit(kernel)(*tuple(_d.values())))

</pallas_src>

<mosaic_0001>
#map = affine_map<(d0, d1) -> (0)>
#map1 = affine_map<(d0, d1) -> (0, 0)>
#map2 = affine_map<(d0, d1) -> (0, 0, 0)>
module attributes {stable_mosaic.version = 14 : i64} {
  func.func @_gather_body(%arg0: i32, %arg1: i32, %arg2: memref<16384xi32, #tpu.memory_space<hbm>>, %arg3: memref<16384xi32, #tpu.memory_space<hbm>>, %arg4: memref<1000000x128xf32, #tpu.memory_space<hbm>>, %arg5: memref<32x512x128xf32, #tpu.memory_space<hbm>>, %arg6: memref<32x512x128xf32, #tpu.memory_space<hbm>>, %arg7: memref<4x128xi32, #tpu.memory_space<vmem>>, %arg8: memref<4x128xi32, #tpu.memory_space<vmem>>, %arg9: memref<128x128xf32, #tpu.memory_space<vmem>>, %arg10: memref<128x128xf32, #tpu.memory_space<vmem>>, %arg11: memref<!tpu.dma_semaphore, #tpu.memory_space<semaphore_mem>>) attributes {dimension_semantics = [#tpu.dimension_semantics<core_parallel>, #tpu.dimension_semantics<subcore_parallel>], iteration_bounds = array<i64: 2, 16>, scalar_prefetch = 0 : i64, scratch_operands = 5 : i64, tpu.core_type = #tpu.core_type<sc_vector_subcore>, window_params = [{transform_indices = #map}, {transform_indices = #map}, {transform_indices = #map1}, {transform_indices = #map2}, {transform_indices = #map2}]} {
    %mul3A = arith.constant 2 : i32
    %mul3A_0 = arith.muli %arg1, %mul3A : i32
    %add3A = arith.addi %mul3A_0, %arg0 : i32
    %mul3A_1 = arith.constant 512 : i32
    %mul3A_2 = arith.muli %add3A, %mul3A_1 : i32
    %add3A_3 = arith.constant 0 : i32
    %add3A_4 = arith.addi %mul3A_2, %add3A_3 : i32
    %run_scoped3A = arith.constant 0 : i32
    "tpu.region"() ({
      %run_scoped3A_128 = tpu.sem_alloc : memref<!tpu.dma_semaphore, #tpu.memory_space<semaphore_mem>>
      %dma_start3A_129 = arith.constant 0 : i32
      %dma_start3A_130 = tpu.memref_slice %arg7[%run_scoped3A, %dma_start3A_129] : memref<4x128xi32, #tpu.memory_space<vmem>> -> memref<1x128xi32, #tpu.memory_space<vmem>>
      %dma_start3A_131 = tpu.memref_squeeze %dma_start3A_130 : memref<1x128xi32, #tpu.memory_space<vmem>> -> memref<128xi32, #tpu.memory_space<vmem>>
      %dma_start3A_132 = tpu.memref_slice %arg2[%add3A_4] : memref<16384xi32, #tpu.memory_space<hbm>> -> memref<128xi32, #tpu.memory_space<hbm>>
      %dma_start3A_133 = arith.constant 0 : i32
      %dma_start3A_134 = tpu.memref_slice %arg7[%run_scoped3A, %dma_start3A_133] : memref<4x128xi32, #tpu.memory_space<vmem>> -> memref<1x128xi32, #tpu.memory_space<vmem>>
      %dma_start3A_135 = tpu.memref_squeeze %dma_start3A_134 : memref<1x128xi32, #tpu.memory_space<vmem>> -> memref<128xi32, #tpu.memory_space<vmem>>
      %dma_start3A_136 = tpu.memref_slice %arg2[%add3A_4] : memref<16384xi32, #tpu.memory_space<hbm>> -> memref<128xi32, #tpu.memory_space<hbm>>
      tpu.enqueue_dma source(%dma_start3A_136 : memref<128xi32, #tpu.memory_space<hbm>>) target(%dma_start3A_135 : memref<128xi32, #tpu.memory_space<vmem>>) target_semaphore(%run_scoped3A_128 : memref<!tpu.dma_semaphore, #tpu.memory_space<semaphore_mem>>)
      %dma_wait3A_137 = arith.constant 0 : i32
      %dma_wait3A_138 = tpu.memref_slice %arg7[%run_scoped3A, %dma_wait3A_137] : memref<4x128xi32, #tpu.memory_space<vmem>> -> memref<1x128xi32, #tpu.memory_space<vmem>>
      %dma_wait3A_139 = tpu.memref_squeeze %dma_wait3A_138 : memref<1x128xi32, #tpu.memory_space<vmem>> -> memref<128xi32, #tpu.memory_space<vmem>>
      %dma_wait3A_140 = tpu.memref_slice %arg2[%add3A_4] : memref<16384xi32, #tpu.memory_space<hbm>> -> memref<128xi32, #tpu.memory_space<hbm>>
      %dma_wait3A_141 = arith.constant 0 : i32
      %dma_wait3A_142 = tpu.memref_slice %arg7[%run_scoped3A, %dma_wait3A_141] : memref<4x128xi32, #tpu.memory_space<vmem>> -> memref<1x128xi32, #tpu.memory_space<vmem>>
      %dma_wait3A_143 = tpu.memref_squeeze %dma_wait3A_142 : memref<1x128xi32, #tpu.memory_space<vmem>> -> memref<128xi32, #tpu.memory_space<vmem>>
      %dma_wait3A_144 = tpu.memref_slice %arg2[%add3A_4] : memref<16384xi32, #tpu.memory_space<hbm>> -> memref<128xi32, #tpu.memory_space<hbm>>
      tpu.wait_dma2 semaphore(%run_scoped3A_128 : memref<!tpu.dma_semaphore, #tpu.memory_space<semaphore_mem>>) src(%dma_wait3A_144 : memref<128xi32, #tpu.memory_space<hbm>>) dst(%dma_wait3A_143 : memref<128xi32, #tpu.memory_space<vmem>>)
      tpu.yield
    }) : () -> ()
    %run_scoped3A_5 = arith.constant 0 : i32
    "tpu.region"() ({
      %run_scoped3A_128 = tpu.sem_alloc : memref<!tpu.dma_semaphore, #tpu.memory_space<semaphore_mem>>
      %dma_start3A_129 = arith.constant 0 : i32
      %dma_start3A_130 = tpu.memref_slice %arg8[%run_scoped3A_5, %dma_start3A_129] : memref<4x128xi32, #tpu.memory_space<vmem>> -> memref<1x128xi32, #tpu.memory_space<vmem>>
      %dma_start3A_131 = tpu.memref_squeeze %dma_start3A_130 : memref<1x128xi32, #tpu.memory_space<vmem>> -> memref<128xi32, #tpu.memory_space<vmem>>
      %dma_start3A_132 = tpu.memref_slice %arg3[%add3A_4] : memref<16384xi32, #tpu.memory_space<hbm>> -> memref<128xi32, #tpu.memory_space<hbm>>
      %dma_start3A_133 = arith.constant 0 : i32
      %dma_start3A_134 = tpu.memref_slice %arg8[%run_scoped3A_5, %dma_start3A_133] : memref<4x128xi32, #tpu.memory_space<vmem>> -> memref<1x128xi32, #tpu.memory_space<vmem>>
      %dma_start3A_135 = tpu.memref_squeeze %dma_start3A_134 : memref<1x128xi32, #tpu.memory_space<vmem>> -> memref<128xi32, #tpu.memory_space<vmem>>
      %dma_start3A_136 = tpu.memref_slice %arg3[%add3A_4] : memref<16384xi32, #tpu.memory_space<hbm>> -> memref<128xi32, #tpu.memory_space<hbm>>
      tpu.enqueue_dma source(%dma_start3A_136 : memref<128xi32, #tpu.memory_space<hbm>>) target(%dma_start3A_135 : memref<128xi32, #tpu.memory_space<vmem>>) target_semaphore(%run_scoped3A_128 : memref<!tpu.dma_semaphore, #tpu.memory_space<semaphore_mem>>)
      %dma_wait3A_137 = arith.constant 0 : i32
      %dma_wait3A_138 = tpu.memref_slice %arg8[%run_scoped3A_5, %dma_wait3A_137] : memref<4x128xi32, #tpu.memory_space<vmem>> -> memref<1x128xi32, #tpu.memory_space<vmem>>
      %dma_wait3A_139 = tpu.memref_squeeze %dma_wait3A_138 : memref<1x128xi32, #tpu.memory_space<vmem>> -> memref<128xi32, #tpu.memory_space<vmem>>
      %dma_wait3A_140 = tpu.memref_slice %arg3[%add3A_4] : memref<16384xi32, #tpu.memory_space<hbm>> -> memref<128xi32, #tpu.memory_space<hbm>>
      %dma_wait3A_141 = arith.constant 0 : i32
      %dma_wait3A_142 = tpu.memref_slice %arg8[%run_scoped3A_5, %dma_wait3A_141] : memref<4x128xi32, #tpu.memory_space<vmem>> -> memref<1x128xi32, #tpu.memory_space<vmem>>
      %dma_wait3A_143 = tpu.memref_squeeze %dma_wait3A_142 : memref<1x128xi32, #tpu.memory_space<vmem>> -> memref<128xi32, #tpu.memory_space<vmem>>
      %dma_wait3A_144 = tpu.memref_slice %arg3[%add3A_4] : memref<16384xi32, #tpu.memory_space<hbm>> -> memref<128xi32, #tpu.memory_space<hbm>>
      tpu.wait_dma2 semaphore(%run_scoped3A_128 : memref<!tpu.dma_semaphore, #tpu.memory_space<semaphore_mem>>) src(%dma_wait3A_144 : memref<128xi32, #tpu.memory_space<hbm>>) dst(%dma_wait3A_143 : memref<128xi32, #tpu.memory_space<vmem>>)
      tpu.yield
    }) : () -> ()
    %add3A_6 = arith.constant 128 : i32
    %add3A_7 = arith.addi %mul3A_2, %add3A_6 : i32
    %run_scoped3A_8 = arith.constant 1 : i32
    "tpu.region"() ({
      %run_scoped3A_128 = tpu.sem_alloc : memref<!tpu.dma_semaphore, #tpu.memory_space<semaphore_mem>>
      %dma_start3A_129 = arith.constant 0 : i32
      %dma_start3A_130 = tpu.memref_slice %arg7[%run_scoped3A_8, %dma_start3A_129] : memref<4x128xi32, #tpu.memory_space<vmem>> -> memref<1x128xi32, #tpu.memory_space<vmem>>
      %dma_start3A_131 = tpu.memref_squeeze %dma_start3A_130 : memref<1x128xi32, #tpu.memory_space<vmem>> -> memref<128xi32, #tpu.memory_space<vmem>>
      %dma_start3A_132 = tpu.memref_slice %arg2[%add3A_7] : memref<16384xi32, #tpu.memory_space<hbm>> -> memref<128xi32, #tpu.memory_space<hbm>>
      %dma_start3A_133 = arith.constant 0 : i32
      %dma_start3A_134 = tpu.memref_slice %arg7[%run_scoped3A_8, %dma_start3A_133] : memref<4x128xi32, #tpu.memory_space<vmem>> -> memref<1x128xi32, #tpu.memory_space<vmem>>
      %dma_start3A_135 = tpu.memref_squeeze %dma_start3A_134 : memref<1x128xi32, #tpu.memory_space<vmem>> -> memref<128xi32, #tpu.memory_space<vmem>>
      %dma_start3A_136 = tpu.memref_slice %arg2[%add3A_7] : memref<16384xi32, #tpu.memory_space<hbm>> -> memref<128xi32, #tpu.memory_space<hbm>>
      tpu.enqueue_dma source(%dma_start3A_136 : memref<128xi32, #tpu.memory_space<hbm>>) target(%dma_start3A_135 : memref<128xi32, #tpu.memory_space<vmem>>) target_semaphore(%run_scoped3A_128 : memref<!tpu.dma_semaphore, #tpu.memory_space<semaphore_mem>>)
      %dma_wait3A_137 = arith.constant 0 : i32
      %dma_wait3A_138 = tpu.memref_slice %arg7[%run_scoped3A_8, %dma_wait3A_137] : memref<4x128xi32, #tpu.memory_space<vmem>> -> memref<1x128xi32, #tpu.memory_space<vmem>>
      %dma_wait3A_139 = tpu.memref_squeeze %dma_wait3A_138 : memref<1x128xi32, #tpu.memory_space<vmem>> -> memref<128xi32, #tpu.memory_space<vmem>>
      %dma_wait3A_140 = tpu.memref_slice %arg2[%add3A_7] : memref<16384xi32, #tpu.memory_space<hbm>> -> memref<128xi32, #tpu.memory_space<hbm>>
      %dma_wait3A_141 = arith.constant 0 : i32
      %dma_wait3A_142 = tpu.memref_slice %arg7[%run_scoped3A_8, %dma_wait3A_141] : memref<4x128xi32, #tpu.memory_space<vmem>> -> memref<1x128xi32, #tpu.memory_space<vmem>>
      %dma_wait3A_143 = tpu.memref_squeeze %dma_wait3A_142 : memref<1x128xi32, #tpu.memory_space<vmem>> -> memref<128xi32, #tpu.memory_space<vmem>>
      %dma_wait3A_144 = tpu.memref_slice %arg2[%add3A_7] : memref<16384xi32, #tpu.memory_space<hbm>> -> memref<128xi32, #tpu.memory_space<hbm>>
      tpu.wait_dma2 semaphore(%run_scoped3A_128 : memref<!tpu.dma_semaphore, #tpu.memory_space<semaphore_mem>>) src(%dma_wait3A_144 : memref<128xi32, #tpu.memory_space<hbm>>) dst(%dma_wait3A_143 : memref<128xi32, #tpu.memory_space<vmem>>)
      tpu.yield
    }) : () -> ()
    %run_scoped3A_9 = arith.constant 1 : i32
    "tpu.region"() ({
      %run_scoped3A_128 = tpu.sem_alloc : memref<!tpu.dma_semaphore, #tpu.memory_space<semaphore_mem>>
      %dma_start3A_129 = arith.constant 0 : i32
      %dma_start3A_130 = tpu.memref_slice %arg8[%run_scoped3A_9, %dma_start3A_129] : memref<4x128xi32, #tpu.memory_space<vmem>> -> memref<1x128xi32, #tpu.memory_space<vmem>>
      %dma_start3A_131 = tpu.memref_squeeze %dma_start3A_130 : memref<1x128xi32, #tpu.memory_space<vmem>> -> memref<128xi32, #tpu.memory_space<vmem>>
      %dma_start3A_132 = tpu.memref_slice %arg3[%add3A_7] : memref<16384xi32, #tpu.memory_space<hbm>> -> memref<128xi32, #tpu.memory_space<hbm>>
      %dma_start3A_133 = arith.constant 0 : i32
      %dma_start3A_134 = tpu.memref_slice %arg8[%run_scoped3A_9, %dma_start3A_133] : memref<4x128xi32, #tpu.memory_space<vmem>> -> memref<1x128xi32, #tpu.memory_space<vmem>>
      %dma_start3A_135 = tpu.memref_squeeze %dma_start3A_134 : memref<1x128xi32, #tpu.memory_space<vmem>> -> memref<128xi32, #tpu.memory_space<vmem>>
      %dma_start3A_136 = tpu.memref_slice %arg3[%add3A_7] : memref<16384xi32, #tpu.memory_space<hbm>> -> memref<128xi32, #tpu.memory_space<hbm>>
      tpu.enqueue_dma source(%dma_start3A_136 : memref<128xi32, #tpu.memory_space<hbm>>) target(%dma_start3A_135 : memref<128xi32, #tpu.memory_space<vmem>>) target_semaphore(%run_scoped3A_128 : memref<!tpu.dma_semaphore, #tpu.memory_space<semaphore_mem>>)
      %dma_wait3A_137 = arith.constant 0 : i32
      %dma_wait3A_138 = tpu.memref_slice %arg8[%run_scoped3A_9, %dma_wait3A_137] : memref<4x128xi32, #tpu.memory_space<vmem>> -> memref<1x128xi32, #tpu.memory_space<vmem>>
      %dma_wait3A_139 = tpu.memref_squeeze %dma_wait3A_138 : memref<1x128xi32, #tpu.memory_space<vmem>> -> memref<128xi32, #tpu.memory_space<vmem>>
      %dma_wait3A_140 = tpu.memref_slice %arg3[%add3A_7] : memref<16384xi32, #tpu.memory_space<hbm>> -> memref<128xi32, #tpu.memory_space<hbm>>
      %dma_wait3A_141 = arith.constant 0 : i32
      %dma_wait3A_142 = tpu.memref_slice %arg8[%run_scoped3A_9, %dma_wait3A_141] : memref<4x128xi32, #tpu.memory_space<vmem>> -> memref<1x128xi32, #tpu.memory_space<vmem>>
      %dma_wait3A_143 = tpu.memref_squeeze %dma_wait3A_142 : memref<1x128xi32, #tpu.memory_space<vmem>> -> memref<128xi32, #tpu.memory_space<vmem>>
      %dma_wait3A_144 = tpu.memref_slice %arg3[%add3A_7] : memref<16384xi32, #tpu.memory_space<hbm>> -> memref<128xi32, #tpu.memory_space<hbm>>
      tpu.wait_dma2 semaphore(%run_scoped3A_128 : memref<!tpu.dma_semaphore, #tpu.memory_space<semaphore_mem>>) src(%dma_wait3A_144 : memref<128xi32, #tpu.memory_space<hbm>>) dst(%dma_wait3A_143 : memref<128xi32, #tpu.memory_space<vmem>>)
      tpu.yield
    }) : () -> ()
    %add3A_10 = arith.constant 256 : i32
    %add3A_11 = arith.addi %mul3A_2, %add3A_10 : i32
    %run_scoped3A_12 = arith.constant 2 : i32
    "tpu.region"() ({
      %run_scoped3A_128 = tpu.sem_alloc : memref<!tpu.dma_semaphore, #tpu.memory_space<semaphore_mem>>
      %dma_start3A_129 = arith.constant 0 : i32
      %dma_start3A_130 = tpu.memref_slice %arg7[%run_scoped3A_12, %dma_start3A_129] : memref<4x128xi32, #tpu.memory_space<vmem>> -> memref<1x128xi32, #tpu.memory_space<vmem>>
      %dma_start3A_131 = tpu.memref_squeeze %dma_start3A_130 : memref<1x128xi32, #tpu.memory_space<vmem>> -> memref<128xi32, #tpu.memory_space<vmem>>
      %dma_start3A_132 = tpu.memref_slice %arg2[%add3A_11] : memref<16384xi32, #tpu.memory_space<hbm>> -> memref<128xi32, #tpu.memory_space<hbm>>
      %dma_start3A_133 = arith.constant 0 : i32
      %dma_start3A_134 = tpu.memref_slice %arg7[%run_scoped3A_12, %dma_start3A_133] : memref<4x128xi32, #tpu.memory_space<vmem>> -> memref<1x128xi32, #tpu.memory_space<vmem>>
      %dma_start3A_135 = tpu.memref_squeeze %dma_start3A_134 : memref<1x128xi32, #tpu.memory_space<vmem>> -> memref<128xi32, #tpu.memory_space<vmem>>
      %dma_start3A_136 = tpu.memref_slice %arg2[%add3A_11] : memref<16384xi32, #tpu.memory_space<hbm>> -> memref<128xi32, #tpu.memory_space<hbm>>
      tpu.enqueue_dma source(%dma_start3A_136 : memref<128xi32, #tpu.memory_space<hbm>>) target(%dma_start3A_135 : memref<128xi32, #tpu.memory_space<vmem>>) target_semaphore(%run_scoped3A_128 : memref<!tpu.dma_semaphore, #tpu.memory_space<semaphore_mem>>)
      %dma_wait3A_137 = arith.constant 0 : i32
      %dma_wait3A_138 = tpu.memref_slice %arg7[%run_scoped3A_12, %dma_wait3A_137] : memref<4x128xi32, #tpu.memory_space<vmem>> -> memref<1x128xi32, #tpu.memory_space<vmem>>
      %dma_wait3A_139 = tpu.memref_squeeze %dma_wait3A_138 : memref<1x128xi32, #tpu.memory_space<vmem>> -> memref<128xi32, #tpu.memory_space<vmem>>
      %dma_wait3A_140 = tpu.memref_slice %arg2[%add3A_11] : memref<16384xi32, #tpu.memory_space<hbm>> -> memref<128xi32, #tpu.memory_space<hbm>>
      %dma_wait3A_141 = arith.constant 0 : i32
      %dma_wait3A_142 = tpu.memref_slice %arg7[%run_scoped3A_12, %dma_wait3A_141] : memref<4x128xi32, #tpu.memory_space<vmem>> -> memref<1x128xi32, #tpu.memory_space<vmem>>
      %dma_wait3A_143 = tpu.memref_squeeze %dma_wait3A_142 : memref<1x128xi32, #tpu.memory_space<vmem>> -> memref<128xi32, #tpu.memory_space<vmem>>
      %dma_wait3A_144 = tpu.memref_slice %arg2[%add3A_11] : memref<16384xi32, #tpu.memory_space<hbm>> -> memref<128xi32, #tpu.memory_space<hbm>>
      tpu.wait_dma2 semaphore(%run_scoped3A_128 : memref<!tpu.dma_semaphore, #tpu.memory_space<semaphore_mem>>) src(%dma_wait3A_144 : memref<128xi32, #tpu.memory_space<hbm>>) dst(%dma_wait3A_143 : memref<128xi32, #tpu.memory_space<vmem>>)
      tpu.yield
    }) : () -> ()
    %run_scoped3A_13 = arith.constant 2 : i32
    "tpu.region"() ({
      %run_scoped3A_128 = tpu.sem_alloc : memref<!tpu.dma_semaphore, #tpu.memory_space<semaphore_mem>>
      %dma_start3A_129 = arith.constant 0 : i32
      %dma_start3A_130 = tpu.memref_slice %arg8[%run_scoped3A_13, %dma_start3A_129] : memref<4x128xi32, #tpu.memory_space<vmem>> -> memref<1x128xi32, #tpu.memory_space<vmem>>
      %dma_start3A_131 = tpu.memref_squeeze %dma_start3A_130 : memref<1x128xi32, #tpu.memory_space<vmem>> -> memref<128xi32, #tpu.memory_space<vmem>>
      %dma_start3A_132 = tpu.memref_slice %arg3[%add3A_11] : memref<16384xi32, #tpu.memory_space<hbm>> -> memref<128xi32, #tpu.memory_space<hbm>>
      %dma_start3A_133 = arith.constant 0 : i32
      %dma_start3A_134 = tpu.memref_slice %arg8[%run_scoped3A_13, %dma_start3A_133] : memref<4x128xi32, #tpu.memory_space<vmem>> -> memref<1x128xi32, #tpu.memory_space<vmem>>
      %dma_start3A_135 = tpu.memref_squeeze %dma_start3A_134 : memref<1x128xi32, #tpu.memory_space<vmem>> -> memref<128xi32, #tpu.memory_space<vmem>>
      %dma_start3A_136 = tpu.memref_slice %arg3[%add3A_11] : memref<16384xi32, #tpu.memory_space<hbm>> -> memref<128xi32, #tpu.memory_space<hbm>>
      tpu.enqueue_dma source(%dma_start3A_136 : memref<128xi32, #tpu.memory_space<hbm>>) target(%dma_start3A_135 : memref<128xi32, #tpu.memory_space<vmem>>) target_semaphore(%run_scoped3A_128 : memref<!tpu.dma_semaphore, #tpu.memory_space<semaphore_mem>>)
      %dma_wait3A_137 = arith.constant 0 : i32
      %dma_wait3A_138 = tpu.memref_slice %arg8[%run_scoped3A_13, %dma_wait3A_137] : memref<4x128xi32, #tpu.memory_space<vmem>> -> memref<1x128xi32, #tpu.memory_space<vmem>>
      %dma_wait3A_139 = tpu.memref_squeeze %dma_wait3A_138 : memref<1x128xi32, #tpu.memory_space<vmem>> -> memref<128xi32, #tpu.memory_space<vmem>>
      %dma_wait3A_140 = tpu.memref_slice %arg3[%add3A_11] : memref<16384xi32, #tpu.memory_space<hbm>> -> memref<128xi32, #tpu.memory_space<hbm>>
      %dma_wait3A_141 = arith.constant 0 : i32
      %dma_wait3A_142 = tpu.memref_slice %arg8[%run_scoped3A_13, %dma_wait3A_141] : memref<4x128xi32, #tpu.memory_space<vmem>> -> memref<1x128xi32, #tpu.memory_space<vmem>>
      %dma_wait3A_143 = tpu.memref_squeeze %dma_wait3A_142 : memref<1x128xi32, #tpu.memory_space<vmem>> -> memref<128xi32, #tpu.memory_space<vmem>>
      %dma_wait3A_144 = tpu.memref_slice %arg3[%add3A_11] : memref<16384xi32, #tpu.memory_space<hbm>> -> memref<128xi32, #tpu.memory_space<hbm>>
      tpu.wait_dma2 semaphore(%run_scoped3A_128 : memref<!tpu.dma_semaphore, #tpu.memory_space<semaphore_mem>>) src(%dma_wait3A_144 : memref<128xi32, #tpu.memory_space<hbm>>) dst(%dma_wait3A_143 : memref<128xi32, #tpu.memory_space<vmem>>)
      tpu.yield
    }) : () -> ()
    %add3A_14 = arith.constant 384 : i32
    %add3A_15 = arith.addi %mul3A_2, %add3A_14 : i32
    %run_scoped3A_16 = arith.constant 3 : i32
    "tpu.region"() ({
      %run_scoped3A_128 = tpu.sem_alloc : memref<!tpu.dma_semaphore, #tpu.memory_space<semaphore_mem>>
      %dma_start3A_129 = arith.constant 0 : i32
      %dma_start3A_130 = tpu.memref_slice %arg7[%run_scoped3A_16, %dma_start3A_129] : memref<4x128xi32, #tpu.memory_space<vmem>> -> memref<1x128xi32, #tpu.memory_space<vmem>>
      %dma_start3A_131 = tpu.memref_squeeze %dma_start3A_130 : memref<1x128xi32, #tpu.memory_space<vmem>> -> memref<128xi32, #tpu.memory_space<vmem>>
      %dma_start3A_132 = tpu.memref_slice %arg2[%add3A_15] : memref<16384xi32, #tpu.memory_space<hbm>> -> memref<128xi32, #tpu.memory_space<hbm>>
      %dma_start3A_133 = arith.constant 0 : i32
      %dma_start3A_134 = tpu.memref_slice %arg7[%run_scoped3A_16, %dma_start3A_133] : memref<4x128xi32, #tpu.memory_space<vmem>> -> memref<1x128xi32, #tpu.memory_space<vmem>>
      %dma_start3A_135 = tpu.memref_squeeze %dma_start3A_134 : memref<1x128xi32, #tpu.memory_space<vmem>> -> memref<128xi32, #tpu.memory_space<vmem>>
      %dma_start3A_136 = tpu.memref_slice %arg2[%add3A_15] : memref<16384xi32, #tpu.memory_space<hbm>> -> memref<128xi32, #tpu.memory_space<hbm>>
      tpu.enqueue_dma source(%dma_start3A_136 : memref<128xi32, #tpu.memory_space<hbm>>) target(%dma_start3A_135 : memref<128xi32, #tpu.memory_space<vmem>>) target_semaphore(%run_scoped3A_128 : memref<!tpu.dma_semaphore, #tpu.memory_space<semaphore_mem>>)
      %dma_wait3A_137 = arith.constant 0 : i32
      %dma_wait3A_138 = tpu.memref_slice %arg7[%run_scoped3A_16, %dma_wait3A_137] : memref<4x128xi32, #tpu.memory_space<vmem>> -> memref<1x128xi32, #tpu.memory_space<vmem>>
      %dma_wait3A_139 = tpu.memref_squeeze %dma_wait3A_138 : memref<1x128xi32, #tpu.memory_space<vmem>> -> memref<128xi32, #tpu.memory_space<vmem>>
      %dma_wait3A_140 = tpu.memref_slice %arg2[%add3A_15] : memref<16384xi32, #tpu.memory_space<hbm>> -> memref<128xi32, #tpu.memory_space<hbm>>
      %dma_wait3A_141 = arith.constant 0 : i32
      %dma_wait3A_142 = tpu.memref_slice %arg7[%run_scoped3A_16, %dma_wait3A_141] : memref<4x128xi32, #tpu.memory_space<vmem>> -> memref<1x128xi32, #tpu.memory_space<vmem>>
      %dma_wait3A_143 = tpu.memref_squeeze %dma_wait3A_142 : memref<1x128xi32, #tpu.memory_space<vmem>> -> memref<128xi32, #tpu.memory_space<vmem>>
      %dma_wait3A_144 = tpu.memref_slice %arg2[%add3A_15] : memref<16384xi32, #tpu.memory_space<hbm>> -> memref<128xi32, #tpu.memory_space<hbm>>
      tpu.wait_dma2 semaphore(%run_scoped3A_128 : memref<!tpu.dma_semaphore, #tpu.memory_space<semaphore_mem>>) src(%dma_wait3A_144 : memref<128xi32, #tpu.memory_space<hbm>>) dst(%dma_wait3A_143 : memref<128xi32, #tpu.memory_space<vmem>>)
      tpu.yield
    }) : () -> ()
    %run_scoped3A_17 = arith.constant 3 : i32
    "tpu.region"() ({
      %run_scoped3A_128 = tpu.sem_alloc : memref<!tpu.dma_semaphore, #tpu.memory_space<semaphore_mem>>
      %dma_start3A_129 = arith.constant 0 : i32
      %dma_start3A_130 = tpu.memref_slice %arg8[%run_scoped3A_17, %dma_start3A_129] : memref<4x128xi32, #tpu.memory_space<vmem>> -> memref<1x128xi32, #tpu.memory_space<vmem>>
      %dma_start3A_131 = tpu.memref_squeeze %dma_start3A_130 : memref<1x128xi32, #tpu.memory_space<vmem>> -> memref<128xi32, #tpu.memory_space<vmem>>
      %dma_start3A_132 = tpu.memref_slice %arg3[%add3A_15] : memref<16384xi32, #tpu.memory_space<hbm>> -> memref<128xi32, #tpu.memory_space<hbm>>
      %dma_start3A_133 = arith.constant 0 : i32
      %dma_start3A_134 = tpu.memref_slice %arg8[%run_scoped3A_17, %dma_start3A_133] : memref<4x128xi32, #tpu.memory_space<vmem>> -> memref<1x128xi32, #tpu.memory_space<vmem>>
      %dma_start3A_135 = tpu.memref_squeeze %dma_start3A_134 : memref<1x128xi32, #tpu.memory_space<vmem>> -> memref<128xi32, #tpu.memory_space<vmem>>
      %dma_start3A_136 = tpu.memref_slice %arg3[%add3A_15] : memref<16384xi32, #tpu.memory_space<hbm>> -> memref<128xi32, #tpu.memory_space<hbm>>
      tpu.enqueue_dma source(%dma_start3A_136 : memref<128xi32, #tpu.memory_space<hbm>>) target(%dma_start3A_135 : memref<128xi32, #tpu.memory_space<vmem>>) target_semaphore(%run_scoped3A_128 : memref<!tpu.dma_semaphore, #tpu.memory_space<semaphore_mem>>)
      %dma_wait3A_137 = arith.constant 0 : i32
      %dma_wait3A_138 = tpu.memref_slice %arg8[%run_scoped3A_17, %dma_wait3A_137] : memref<4x128xi32, #tpu.memory_space<vmem>> -> memref<1x128xi32, #tpu.memory_space<vmem>>
      %dma_wait3A_139 = tpu.memref_squeeze %dma_wait3A_138 : memref<1x128xi32, #tpu.memory_space<vmem>> -> memref<128xi32, #tpu.memory_space<vmem>>
      %dma_wait3A_140 = tpu.memref_slice %arg3[%add3A_15] : memref<16384xi32, #tpu.memory_space<hbm>> -> memref<128xi32, #tpu.memory_space<hbm>>
      %dma_wait3A_141 = arith.constant 0 : i32
      %dma_wait3A_142 = tpu.memref_slice %arg8[%run_scoped3A_17, %dma_wait3A_141] : memref<4x128xi32, #tpu.memory_space<vmem>> -> memref<1x128xi32, #tpu.memory_space<vmem>>
      %dma_wait3A_143 = tpu.memref_squeeze %dma_wait3A_142 : memref<1x128xi32, #tpu.memory_space<vmem>> -> memref<128xi32, #tpu.memory_space<vmem>>
      %dma_wait3A_144 = tpu.memref_slice %arg3[%add3A_15] : memref<16384xi32, #tpu.memory_space<hbm>> -> memref<128xi32, #tpu.memory_space<hbm>>
      tpu.wait_dma2 semaphore(%run_scoped3A_128 : memref<!tpu.dma_semaphore, #tpu.memory_space<semaphore_mem>>) src(%dma_wait3A_144 : memref<128xi32, #tpu.memory_space<hbm>>) dst(%dma_wait3A_143 : memref<128xi32, #tpu.memory_space<vmem>>)
      tpu.yield
    }) : () -> ()
    %dma_start3A = arith.constant 0 : i32
    %dma_start3A_18 = arith.constant 0 : i32
    %dma_start3A_19 = tpu.memref_slice %arg7[%dma_start3A, %dma_start3A_18] : memref<4x128xi32, #tpu.memory_space<vmem>> -> memref<1x128xi32, #tpu.memory_space<vmem>>
    %dma_start3A_20 = tpu.memref_squeeze %dma_start3A_19 : memref<1x128xi32, #tpu.memory_space<vmem>> -> memref<128xi32, #tpu.memory_space<vmem>>
    %dma_start3A_21 = arith.constant 0 : i32
    %dma_start3A_22 = arith.constant 0 : i32
    %dma_start3A_23 = tpu.memref_slice %arg4[%dma_start3A_21, %dma_start3A_22] : memref<1000000x128xf32, #tpu.memory_space<hbm>> -> memref<1000000x128xf32, #tpu.memory_space<hbm>>
    tpu.enqueue_indirect_dma source(%dma_start3A_23 : memref<1000000x128xf32, #tpu.memory_space<hbm>>) target(%arg9 : memref<128x128xf32, #tpu.memory_space<vmem>>) offsets(%dma_start3A_20 : memref<128xi32, #tpu.memory_space<vmem>>) semaphore(%arg11 : memref<!tpu.dma_semaphore, #tpu.memory_space<semaphore_mem>>)
    %dma_start3A_24 = arith.constant 0 : i32
    %dma_start3A_25 = arith.constant 0 : i32
    %dma_start3A_26 = tpu.memref_slice %arg8[%dma_start3A_24, %dma_start3A_25] : memref<4x128xi32, #tpu.memory_space<vmem>> -> memref<1x128xi32, #tpu.memory_space<vmem>>
    %dma_start3A_27 = tpu.memref_squeeze %dma_start3A_26 : memref<1x128xi32, #tpu.memory_space<vmem>> -> memref<128xi32, #tpu.memory_space<vmem>>
    %dma_start3A_28 = arith.constant 0 : i32
    %dma_start3A_29 = arith.constant 0 : i32
    %dma_start3A_30 = tpu.memref_slice %arg4[%dma_start3A_28, %dma_start3A_29] : memref<1000000x128xf32, #tpu.memory_space<hbm>> -> memref<1000000x128xf32, #tpu.memory_space<hbm>>
    tpu.enqueue_indirect_dma source(%dma_start3A_30 : memref<1000000x128xf32, #tpu.memory_space<hbm>>) target(%arg10 : memref<128x128xf32, #tpu.memory_space<vmem>>) offsets(%dma_start3A_27 : memref<128xi32, #tpu.memory_space<vmem>>) semaphore(%arg11 : memref<!tpu.dma_semaphore, #tpu.memory_space<semaphore_mem>>)
    %dma_wait3A = arith.constant 0 : i32
    %dma_wait3A_31 = arith.constant 0 : i32
    %dma_wait3A_32 = tpu.memref_slice %arg7[%dma_wait3A, %dma_wait3A_31] : memref<4x128xi32, #tpu.memory_space<vmem>> -> memref<1x128xi32, #tpu.memory_space<vmem>>
    %dma_wait3A_33 = tpu.memref_squeeze %dma_wait3A_32 : memref<1x128xi32, #tpu.memory_space<vmem>> -> memref<128xi32, #tpu.memory_space<vmem>>
    %dma_wait3A_34 = arith.constant 0 : i32
    %dma_wait3A_35 = arith.constant 0 : i32
    %dma_wait3A_36 = tpu.memref_slice %arg4[%dma_wait3A_34, %dma_wait3A_35] : memref<1000000x128xf32, #tpu.memory_space<hbm>> -> memref<1000000x128xf32, #tpu.memory_space<hbm>>
    tpu.wait_indirect_dma semaphore(%arg11 : memref<!tpu.dma_semaphore, #tpu.memory_space<semaphore_mem>>) src(%dma_wait3A_36 : memref<1000000x128xf32, #tpu.memory_space<hbm>>) dst(%arg9 : memref<128x128xf32, #tpu.memory_space<vmem>>)
    %dma_wait3A_37 = arith.constant 0 : i32
    %dma_wait3A_38 = arith.constant 0 : i32
    %dma_wait3A_39 = tpu.memref_slice %arg8[%dma_wait3A_37, %dma_wait3A_38] : memref<4x128xi32, #tpu.memory_space<vmem>> -> memref<1x128xi32, #tpu.memory_space<vmem>>
    %dma_wait3A_40 = tpu.memref_squeeze %dma_wait3A_39 : memref<1x128xi32, #tpu.memory_space<vmem>> -> memref<128xi32, #tpu.memory_space<vmem>>
    %dma_wait3A_41 = arith.constant 0 : i32
    %dma_wait3A_42 = arith.constant 0 : i32
    %dma_wait3A_43 = tpu.memref_slice %arg4[%dma_wait3A_41, %dma_wait3A_42] : memref<1000000x128xf32, #tpu.memory_space<hbm>> -> memref<1000000x128xf32, #tpu.memory_space<hbm>>
    tpu.wait_indirect_dma semaphore(%arg11 : memref<!tpu.dma_semaphore, #tpu.memory_space<semaphore_mem>>) src(%dma_wait3A_43 : memref<1000000x128xf32, #tpu.memory_space<hbm>>) dst(%arg10 : memref<128x128xf32, #tpu.memory_space<vmem>>)
    "tpu.region"() ({
      %run_scoped3A_128 = tpu.sem_alloc : memref<!tpu.dma_semaphore, #tpu.memory_space<semaphore_mem>>
      %dma_start3A_129 = arith.constant 0 : i32
      %dma_start3A_130 = arith.constant 0 : i32
      %dma_start3A_131 = tpu.memref_slice %arg5[%add3A, %dma_start3A_129, %dma_start3A_130] : memref<32x512x128xf32, #tpu.memory_space<hbm>> -> memref<1x512x128xf32, #tpu.memory_space<hbm>>
      %dma_start3A_132 = tpu.memref_squeeze %dma_start3A_131 : memref<1x512x128xf32, #tpu.memory_space<hbm>> -> memref<512x128xf32, #tpu.memory_space<hbm>>
      %dma_start3A_133 = arith.constant 0 : i32
      %dma_start3A_134 = arith.constant 0 : i32
      %dma_start3A_135 = tpu.memref_slice %dma_start3A_132[%dma_start3A_133, %dma_start3A_134] : memref<512x128xf32, #tpu.memory_space<hbm>> -> memref<128x128xf32, #tpu.memory_space<hbm>>
      %dma_start3A_136 = arith.constant 0 : i32
      %dma_start3A_137 = arith.constant 0 : i32
      %dma_start3A_138 = tpu.memref_slice %arg5[%add3A, %dma_start3A_136, %dma_start3A_137] : memref<32x512x128xf32, #tpu.memory_space<hbm>> -> memref<1x512x128xf32, #tpu.memory_space<hbm>>
      %dma_start3A_139 = tpu.memref_squeeze %dma_start3A_138 : memref<1x512x128xf32, #tpu.memory_space<hbm>> -> memref<512x128xf32, #tpu.memory_space<hbm>>
      %dma_start3A_140 = arith.constant 0 : i32
      %dma_start3A_141 = arith.constant 0 : i32
      %dma_start3A_142 = tpu.memref_slice %dma_start3A_139[%dma_start3A_140, %dma_start3A_141] : memref<512x128xf32, #tpu.memory_space<hbm>> -> memref<128x128xf32, #tpu.memory_space<hbm>>
      tpu.enqueue_dma source(%arg9 : memref<128x128xf32, #tpu.memory_space<vmem>>) target(%dma_start3A_142 : memref<128x128xf32, #tpu.memory_space<hbm>>) target_semaphore(%run_scoped3A_128 : memref<!tpu.dma_semaphore, #tpu.memory_space<semaphore_mem>>)
      %dma_wait3A_143 = arith.constant 0 : i32
      %dma_wait3A_144 = arith.constant 0 : i32
      %dma_wait3A_145 = tpu.memref_slice %arg5[%add3A, %dma_wait3A_143, %dma_wait3A_144] : memref<32x512x128xf32, #tpu.memory_space<hbm>> -> memref<1x512x128xf32, #tpu.memory_space<hbm>>
      %dma_wait3A_146 = tpu.memref_squeeze %dma_wait3A_145 : memref<1x512x128xf32, #tpu.memory_space<hbm>> -> memref<512x128xf32, #tpu.memory_space<hbm>>
      %dma_wait3A_147 = arith.constant 0 : i32
      %dma_wait3A_148 = arith.constant 0 : i32
      %dma_wait3A_149 = tpu.memref_slice %dma_wait3A_146[%dma_wait3A_147, %dma_wait3A_148] : memref<512x128xf32, #tpu.memory_space<hbm>> -> memref<128x128xf32, #tpu.memory_space<hbm>>
      %dma_wait3A_150 = arith.constant 0 : i32
      %dma_wait3A_151 = arith.constant 0 : i32
      %dma_wait3A_152 = tpu.memref_slice %arg5[%add3A, %dma_wait3A_150, %dma_wait3A_151] : memref<32x512x128xf32, #tpu.memory_space<hbm>> -> memref<1x512x128xf32, #tpu.memory_space<hbm>>
      %dma_wait3A_153 = tpu.memref_squeeze %dma_wait3A_152 : memref<1x512x128xf32, #tpu.memory_space<hbm>> -> memref<512x128xf32, #tpu.memory_space<hbm>>
      %dma_wait3A_154 = arith.constant 0 : i32
      %dma_wait3A_155 = arith.constant 0 : i32
      %dma_wait3A_156 = tpu.memref_slice %dma_wait3A_153[%dma_wait3A_154, %dma_wait3A_155] : memref<512x128xf32, #tpu.memory_space<hbm>> -> memref<128x128xf32, #tpu.memory_space<hbm>>
      tpu.wait_dma2 semaphore(%run_scoped3A_128 : memref<!tpu.dma_semaphore, #tpu.memory_space<semaphore_mem>>) src(%arg9 : memref<128x128xf32, #tpu.memory_space<vmem>>) dst(%dma_wait3A_156 : memref<128x128xf32, #tpu.memory_space<hbm>>)
      tpu.yield
    }) : () -> ()
    "tpu.region"() ({
      %run_scoped3A_128 = tpu.sem_alloc : memref<!tpu.dma_semaphore, #tpu.memory_space<semaphore_mem>>
      %dma_start3A_129 = arith.constant 0 : i32
      %dma_start3A_130 = arith.constant 0 : i32
      %dma_start3A_131 = tpu.memref_slice %arg6[%add3A, %dma_start3A_129, %dma_start3A_130] : memref<32x512x128xf32, #tpu.memory_space<hbm>> -> memref<1x512x128xf32, #tpu.memory_space<hbm>>
      %dma_start3A_132 = tpu.memref_squeeze %dma_start3A_131 : memref<1x512x128xf32, #tpu.memory_space<hbm>> -> memref<512x128xf32, #tpu.memory_space<hbm>>
      %dma_start3A_133 = arith.constant 0 : i32
      %dma_start3A_134 = arith.constant 0 : i32
      %dma_start3A_135 = tpu.memref_slice %dma_start3A_132[%dma_start3A_133, %dma_start3A_134] : memref<512x128xf32, #tpu.memory_space<hbm>> -> memref<128x128xf32, #tpu.memory_space<hbm>>
      %dma_start3A_136 = arith.constant 0 : i32
      %dma_start3A_137 = arith.constant 0 : i32
      %dma_start3A_138 = tpu.memref_slice %arg6[%add3A, %dma_start3A_136, %dma_start3A_137] : memref<32x512x128xf32, #tpu.memory_space<hbm>> -> memref<1x512x128xf32, #tpu.memory_space<hbm>>
      %dma_start3A_139 = tpu.memref_squeeze %dma_start3A_138 : memref<1x512x128xf32, #tpu.memory_space<hbm>> -> memref<512x128xf32, #tpu.memory_space<hbm>>
      %dma_start3A_140 = arith.constant 0 : i32
      %dma_start3A_141 = arith.constant 0 : i32
      %dma_start3A_142 = tpu.memref_slice %dma_start3A_139[%dma_start3A_140, %dma_start3A_141] : memref<512x128xf32, #tpu.memory_space<hbm>> -> memref<128x128xf32, #tpu.memory_space<hbm>>
      tpu.enqueue_dma source(%arg10 : memref<128x128xf32, #tpu.memory_space<vmem>>) target(%dma_start3A_142 : memref<128x128xf32, #tpu.memory_space<hbm>>) target_semaphore(%run_scoped3A_128 : memref<!tpu.dma_semaphore, #tpu.memory_space<semaphore_mem>>)
      %dma_wait3A_143 = arith.constant 0 : i32
      %dma_wait3A_144 = arith.constant 0 : i32
      %dma_wait3A_145 = tpu.memref_slice %arg6[%add3A, %dma_wait3A_143, %dma_wait3A_144] : memref<32x512x128xf32, #tpu.memory_space<hbm>> -> memref<1x512x128xf32, #tpu.memory_space<hbm>>
      %dma_wait3A_146 = tpu.memref_squeeze %dma_wait3A_145 : memref<1x512x128xf32, #tpu.memory_space<hbm>> -> memref<512x128xf32, #tpu.memory_space<hbm>>
      %dma_wait3A_147 = arith.constant 0 : i32
      %dma_wait3A_148 = arith.constant 0 : i32
      %dma_wait3A_149 = tpu.memref_slice %dma_wait3A_146[%dma_wait3A_147, %dma_wait3A_148] : memref<512x128xf32, #tpu.memory_space<hbm>> -> memref<128x128xf32, #tpu.memory_space<hbm>>
      %dma_wait3A_150 = arith.constant 0 : i32
      %dma_wait3A_151 = arith.constant 0 : i32
      %dma_wait3A_152 = tpu.memref_slice %arg6[%add3A, %dma_wait3A_150, %dma_wait3A_151] : memref<32x512x128xf32, #tpu.memory_space<hbm>> -> memref<1x512x128xf32, #tpu.memory_space<hbm>>
      %dma_wait3A_153 = tpu.memref_squeeze %dma_wait3A_152 : memref<1x512x128xf32, #tpu.memory_space<hbm>> -> memref<512x128xf32, #tpu.memory_space<hbm>>
      %dma_wait3A_154 = arith.constant 0 : i32
      %dma_wait3A_155 = arith.constant 0 : i32
      %dma_wait3A_156 = tpu.memref_slice %dma_wait3A_153[%dma_wait3A_154, %dma_wait3A_155] : memref<512x128xf32, #tpu.memory_space<hbm>> -> memref<128x128xf32, #tpu.memory_space<hbm>>
      tpu.wait_dma2 semaphore(%run_scoped3A_128 : memref<!tpu.dma_semaphore, #tpu.memory_space<semaphore_mem>>) src(%arg10 : memref<128x128xf32, #tpu.memory_space<vmem>>) dst(%dma_wait3A_156 : memref<128x128xf32, #tpu.memory_space<hbm>>)
      tpu.yield
    }) : () -> ()
    %dma_start3A_44 = arith.constant 1 : i32
    %dma_start3A_45 = arith.constant 0 : i32
    %dma_start3A_46 = tpu.memref_slice %arg7[%dma_start3A_44, %dma_start3A_45] : memref<4x128xi32, #tpu.memory_space<vmem>> -> memref<1x128xi32, #tpu.memory_space<vmem>>
    %dma_start3A_47 = tpu.memref_squeeze %dma_start3A_46 : memref<1x128xi32, #tpu.memory_space<vmem>> -> memref<128xi32, #tpu.memory_space<vmem>>
    %dma_start3A_48 = arith.constant 0 : i32
    %dma_start3A_49 = arith.constant 0 : i32
    %dma_start3A_50 = tpu.memref_slice %arg4[%dma_start3A_48, %dma_start3A_49] : memref<1000000x128xf32, #tpu.memory_space<hbm>> -> memref<1000000x128xf32, #tpu.memory_space<hbm>>
    tpu.enqueue_indirect_dma source(%dma_start3A_50 : memref<1000000x128xf32, #tpu.memory_space<hbm>>) target(%arg9 : memref<128x128xf32, #tpu.memory_space<vmem>>) offsets(%dma_start3A_47 : memref<128xi32, #tpu.memory_space<vmem>>) semaphore(%arg11 : memref<!tpu.dma_semaphore, #tpu.memory_space<semaphore_mem>>)
    %dma_start3A_51 = arith.constant 1 : i32
    %dma_start3A_52 = arith.constant 0 : i32
    %dma_start3A_53 = tpu.memref_slice %arg8[%dma_start3A_51, %dma_start3A_52] : memref<4x128xi32, #tpu.memory_space<vmem>> -> memref<1x128xi32, #tpu.memory_space<vmem>>
    %dma_start3A_54 = tpu.memref_squeeze %dma_start3A_53 : memref<1x128xi32, #tpu.memory_space<vmem>> -> memref<128xi32, #tpu.memory_space<vmem>>
    %dma_start3A_55 = arith.constant 0 : i32
    %dma_start3A_56 = arith.constant 0 : i32
    %dma_start3A_57 = tpu.memref_slice %arg4[%dma_start3A_55, %dma_start3A_56] : memref<1000000x128xf32, #tpu.memory_space<hbm>> -> memref<1000000x128xf32, #tpu.memory_space<hbm>>
    tpu.enqueue_indirect_dma source(%dma_start3A_57 : memref<1000000x128xf32, #tpu.memory_space<hbm>>) target(%arg10 : memref<128x128xf32, #tpu.memory_space<vmem>>) offsets(%dma_start3A_54 : memref<128xi32, #tpu.memory_space<vmem>>) semaphore(%arg11 : memref<!tpu.dma_semaphore, #tpu.memory_space<semaphore_mem>>)
    %dma_wait3A_58 = arith.constant 1 : i32
    %dma_wait3A_59 = arith.constant 0 : i32
    %dma_wait3A_60 = tpu.memref_slice %arg7[%dma_wait3A_58, %dma_wait3A_59] : memref<4x128xi32, #tpu.memory_space<vmem>> -> memref<1x128xi32, #tpu.memory_space<vmem>>
    %dma_wait3A_61 = tpu.memref_squeeze %dma_wait3A_60 : memref<1x128xi32, #tpu.memory_space<vmem>> -> memref<128xi32, #tpu.memory_space<vmem>>
    %dma_wait3A_62 = arith.constant 0 : i32
    %dma_wait3A_63 = arith.constant 0 : i32
    %dma_wait3A_64 = tpu.memref_slice %arg4[%dma_wait3A_62, %dma_wait3A_63] : memref<1000000x128xf32, #tpu.memory_space<hbm>> -> memref<1000000x128xf32, #tpu.memory_space<hbm>>
    tpu.wait_indirect_dma semaphore(%arg11 : memref<!tpu.dma_semaphore, #tpu.memory_space<semaphore_mem>>) src(%dma_wait3A_64 : memref<1000000x128xf32, #tpu.memory_space<hbm>>) dst(%arg9 : memref<128x128xf32, #tpu.memory_space<vmem>>)
    %dma_wait3A_65 = arith.constant 1 : i32
    %dma_wait3A_66 = arith.constant 0 : i32
    %dma_wait3A_67 = tpu.memref_slice %arg8[%dma_wait3A_65, %dma_wait3A_66] : memref<4x128xi32, #tpu.memory_space<vmem>> -> memref<1x128xi32, #tpu.memory_space<vmem>>
    %dma_wait3A_68 = tpu.memref_squeeze %dma_wait3A_67 : memref<1x128xi32, #tpu.memory_space<vmem>> -> memref<128xi32, #tpu.memory_space<vmem>>
    %dma_wait3A_69 = arith.constant 0 : i32
    %dma_wait3A_70 = arith.constant 0 : i32
    %dma_wait3A_71 = tpu.memref_slice %arg4[%dma_wait3A_69, %dma_wait3A_70] : memref<1000000x128xf32, #tpu.memory_space<hbm>> -> memref<1000000x128xf32, #tpu.memory_space<hbm>>
    tpu.wait_indirect_dma semaphore(%arg11 : memref<!tpu.dma_semaphore, #tpu.memory_space<semaphore_mem>>) src(%dma_wait3A_71 : memref<1000000x128xf32, #tpu.memory_space<hbm>>) dst(%arg10 : memref<128x128xf32, #tpu.memory_space<vmem>>)
    "tpu.region"() ({
      %run_scoped3A_128 = tpu.sem_alloc : memref<!tpu.dma_semaphore, #tpu.memory_space<semaphore_mem>>
      %dma_start3A_129 = arith.constant 0 : i32
      %dma_start3A_130 = arith.constant 0 : i32
      %dma_start3A_131 = tpu.memref_slice %arg5[%add3A, %dma_start3A_129, %dma_start3A_130] : memref<32x512x128xf32, #tpu.memory_space<hbm>> -> memref<1x512x128xf32, #tpu.memory_space<hbm>>
      %dma_start3A_132 = tpu.memref_squeeze %dma_start3A_131 : memref<1x512x128xf32, #tpu.memory_space<hbm>> -> memref<512x128xf32, #tpu.memory_space<hbm>>
      %dma_start3A_133 = arith.constant 128 : i32
      %dma_start3A_134 = arith.constant 0 : i32
      %dma_start3A_135 = tpu.memref_slice %dma_start3A_132[%dma_start3A_133, %dma_start3A_134] : memref<512x128xf32, #tpu.memory_space<hbm>> -> memref<128x128xf32, #tpu.memory_space<hbm>>
      %dma_start3A_136 = arith.constant 0 : i32
      %dma_start3A_137 = arith.constant 0 : i32
      %dma_start3A_138 = tpu.memref_slice %arg5[%add3A, %dma_start3A_136, %dma_start3A_137] : memref<32x512x128xf32, #tpu.memory_space<hbm>> -> memref<1x512x128xf32, #tpu.memory_space<hbm>>
      %dma_start3A_139 = tpu.memref_squeeze %dma_start3A_138 : memref<1x512x128xf32, #tpu.memory_space<hbm>> -> memref<512x128xf32, #tpu.memory_space<hbm>>
      %dma_start3A_140 = arith.constant 128 : i32
      %dma_start3A_141 = arith.constant 0 : i32
      %dma_start3A_142 = tpu.memref_slice %dma_start3A_139[%dma_start3A_140, %dma_start3A_141] : memref<512x128xf32, #tpu.memory_space<hbm>> -> memref<128x128xf32, #tpu.memory_space<hbm>>
      tpu.enqueue_dma source(%arg9 : memref<128x128xf32, #tpu.memory_space<vmem>>) target(%dma_start3A_142 : memref<128x128xf32, #tpu.memory_space<hbm>>) target_semaphore(%run_scoped3A_128 : memref<!tpu.dma_semaphore, #tpu.memory_space<semaphore_mem>>)
      %dma_wait3A_143 = arith.constant 0 : i32
      %dma_wait3A_144 = arith.constant 0 : i32
      %dma_wait3A_145 = tpu.memref_slice %arg5[%add3A, %dma_wait3A_143, %dma_wait3A_144] : memref<32x512x128xf32, #tpu.memory_space<hbm>> -> memref<1x512x128xf32, #tpu.memory_space<hbm>>
      %dma_wait3A_146 = tpu.memref_squeeze %dma_wait3A_145 : memref<1x512x128xf32, #tpu.memory_space<hbm>> -> memref<512x128xf32, #tpu.memory_space<hbm>>
      %dma_wait3A_147 = arith.constant 128 : i32
      %dma_wait3A_148 = arith.constant 0 : i32
      %dma_wait3A_149 = tpu.memref_slice %dma_wait3A_146[%dma_wait3A_147, %dma_wait3A_148] : memref<512x128xf32, #tpu.memory_space<hbm>> -> memref<128x128xf32, #tpu.memory_space<hbm>>
      %dma_wait3A_150 = arith.constant 0 : i32
      %dma_wait3A_151 = arith.constant 0 : i32
      %dma_wait3A_152 = tpu.memref_slice %arg5[%add3A, %dma_wait3A_150, %dma_wait3A_151] : memref<32x512x128xf32, #tpu.memory_space<hbm>> -> memref<1x512x128xf32, #tpu.memory_space<hbm>>
      %dma_wait3A_153 = tpu.memref_squeeze %dma_wait3A_152 : memref<1x512x128xf32, #tpu.memory_space<hbm>> -> memref<512x128xf32, #tpu.memory_space<hbm>>
      %dma_wait3A_154 = arith.constant 128 : i32
      %dma_wait3A_155 = arith.constant 0 : i32
      %dma_wait3A_156 = tpu.memref_slice %dma_wait3A_153[%dma_wait3A_154, %dma_wait3A_155] : memref<512x128xf32, #tpu.memory_space<hbm>> -> memref<128x128xf32, #tpu.memory_space<hbm>>
      tpu.wait_dma2 semaphore(%run_scoped3A_128 : memref<!tpu.dma_semaphore, #tpu.memory_space<semaphore_mem>>) src(%arg9 : memref<128x128xf32, #tpu.memory_space<vmem>>) dst(%dma_wait3A_156 : memref<128x128xf32, #tpu.memory_space<hbm>>)
      tpu.yield
    }) : () -> ()
    "tpu.region"() ({
      %run_scoped3A_128 = tpu.sem_alloc : memref<!tpu.dma_semaphore, #tpu.memory_space<semaphore_mem>>
      %dma_start3A_129 = arith.constant 0 : i32
      %dma_start3A_130 = arith.constant 0 : i32
      %dma_start3A_131 = tpu.memref_slice %arg6[%add3A, %dma_start3A_129, %dma_start3A_130] : memref<32x512x128xf32, #tpu.memory_space<hbm>> -> memref<1x512x128xf32, #tpu.memory_space<hbm>>
      %dma_start3A_132 = tpu.memref_squeeze %dma_start3A_131 : memref<1x512x128xf32, #tpu.memory_space<hbm>> -> memref<512x128xf32, #tpu.memory_space<hbm>>
      %dma_start3A_133 = arith.constant 128 : i32
      %dma_start3A_134 = arith.constant 0 : i32
      %dma_start3A_135 = tpu.memref_slice %dma_start3A_132[%dma_start3A_133, %dma_start3A_134] : memref<512x128xf32, #tpu.memory_space<hbm>> -> memref<128x128xf32, #tpu.memory_space<hbm>>
      %dma_start3A_136 = arith.constant 0 : i32
      %dma_start3A_137 = arith.constant 0 : i32
      %dma_start3A_138 = tpu.memref_slice %arg6[%add3A, %dma_start3A_136, %dma_start3A_137] : memref<32x512x128xf32, #tpu.memory_space<hbm>> -> memref<1x512x128xf32, #tpu.memory_space<hbm>>
      %dma_start3A_139 = tpu.memref_squeeze %dma_start3A_138 : memref<1x512x128xf32, #tpu.memory_space<hbm>> -> memref<512x128xf32, #tpu.memory_space<hbm>>
      %dma_start3A_140 = arith.constant 128 : i32
      %dma_start3A_141 = arith.constant 0 : i32
      %dma_start3A_142 = tpu.memref_slice %dma_start3A_139[%dma_start3A_140, %dma_start3A_141] : memref<512x128xf32, #tpu.memory_space<hbm>> -> memref<128x128xf32, #tpu.memory_space<hbm>>
      tpu.enqueue_dma source(%arg10 : memref<128x128xf32, #tpu.memory_space<vmem>>) target(%dma_start3A_142 : memref<128x128xf32, #tpu.memory_space<hbm>>) target_semaphore(%run_scoped3A_128 : memref<!tpu.dma_semaphore, #tpu.memory_space<semaphore_mem>>)
      %dma_wait3A_143 = arith.constant 0 : i32
      %dma_wait3A_144 = arith.constant 0 : i32
      %dma_wait3A_145 = tpu.memref_slice %arg6[%add3A, %dma_wait3A_143, %dma_wait3A_144] : memref<32x512x128xf32, #tpu.memory_space<hbm>> -> memref<1x512x128xf32, #tpu.memory_space<hbm>>
      %dma_wait3A_146 = tpu.memref_squeeze %dma_wait3A_145 : memref<1x512x128xf32, #tpu.memory_space<hbm>> -> memref<512x128xf32, #tpu.memory_space<hbm>>
      %dma_wait3A_147 = arith.constant 128 : i32
      %dma_wait3A_148 = arith.constant 0 : i32
      %dma_wait3A_149 = tpu.memref_slice %dma_wait3A_146[%dma_wait3A_147, %dma_wait3A_148] : memref<512x128xf32, #tpu.memory_space<hbm>> -> memref<128x128xf32, #tpu.memory_space<hbm>>
      %dma_wait3A_150 = arith.constant 0 : i32
      %dma_wait3A_151 = arith.constant 0 : i32
      %dma_wait3A_152 = tpu.memref_slice %arg6[%add3A, %dma_wait3A_150, %dma_wait3A_151] : memref<32x512x128xf32, #tpu.memory_space<hbm>> -> memref<1x512x128xf32, #tpu.memory_space<hbm>>
      %dma_wait3A_153 = tpu.memref_squeeze %dma_wait3A_152 : memref<1x512x128xf32, #tpu.memory_space<hbm>> -> memref<512x128xf32, #tpu.memory_space<hbm>>
      %dma_wait3A_154 = arith.constant 128 : i32
      %dma_wait3A_155 = arith.constant 0 : i32
      %dma_wait3A_156 = tpu.memref_slice %dma_wait3A_153[%dma_wait3A_154, %dma_wait3A_155] : memref<512x128xf32, #tpu.memory_space<hbm>> -> memref<128x128xf32, #tpu.memory_space<hbm>>
      tpu.wait_dma2 semaphore(%run_scoped3A_128 : memref<!tpu.dma_semaphore, #tpu.memory_space<semaphore_mem>>) src(%arg10 : memref<128x128xf32, #tpu.memory_space<vmem>>) dst(%dma_wait3A_156 : memref<128x128xf32, #tpu.memory_space<hbm>>)
      tpu.yield
    }) : () -> ()
    %dma_start3A_72 = arith.constant 2 : i32
    %dma_start3A_73 = arith.constant 0 : i32
    %dma_start3A_74 = tpu.memref_slice %arg7[%dma_start3A_72, %dma_start3A_73] : memref<4x128xi32, #tpu.memory_space<vmem>> -> memref<1x128xi32, #tpu.memory_space<vmem>>
    %dma_start3A_75 = tpu.memref_squeeze %dma_start3A_74 : memref<1x128xi32, #tpu.memory_space<vmem>> -> memref<128xi32, #tpu.memory_space<vmem>>
    %dma_start3A_76 = arith.constant 0 : i32
    %dma_start3A_77 = arith.constant 0 : i32
    %dma_start3A_78 = tpu.memref_slice %arg4[%dma_start3A_76, %dma_start3A_77] : memref<1000000x128xf32, #tpu.memory_space<hbm>> -> memref<1000000x128xf32, #tpu.memory_space<hbm>>
    tpu.enqueue_indirect_dma source(%dma_start3A_78 : memref<1000000x128xf32, #tpu.memory_space<hbm>>) target(%arg9 : memref<128x128xf32, #tpu.memory_space<vmem>>) offsets(%dma_start3A_75 : memref<128xi32, #tpu.memory_space<vmem>>) semaphore(%arg11 : memref<!tpu.dma_semaphore, #tpu.memory_space<semaphore_mem>>)
    %dma_start3A_79 = arith.constant 2 : i32
    %dma_start3A_80 = arith.constant 0 : i32
    %dma_start3A_81 = tpu.memref_slice %arg8[%dma_start3A_79, %dma_start3A_80] : memref<4x128xi32, #tpu.memory_space<vmem>> -> memref<1x128xi32, #tpu.memory_space<vmem>>
    %dma_start3A_82 = tpu.memref_squeeze %dma_start3A_81 : memref<1x128xi32, #tpu.memory_space<vmem>> -> memref<128xi32, #tpu.memory_space<vmem>>
    %dma_start3A_83 = arith.constant 0 : i32
    %dma_start3A_84 = arith.constant 0 : i32
    %dma_start3A_85 = tpu.memref_slice %arg4[%dma_start3A_83, %dma_start3A_84] : memref<1000000x128xf32, #tpu.memory_space<hbm>> -> memref<1000000x128xf32, #tpu.memory_space<hbm>>
    tpu.enqueue_indirect_dma source(%dma_start3A_85 : memref<1000000x128xf32, #tpu.memory_space<hbm>>) target(%arg10 : memref<128x128xf32, #tpu.memory_space<vmem>>) offsets(%dma_start3A_82 : memref<128xi32, #tpu.memory_space<vmem>>) semaphore(%arg11 : memref<!tpu.dma_semaphore, #tpu.memory_space<semaphore_mem>>)
    %dma_wait3A_86 = arith.constant 2 : i32
    %dma_wait3A_87 = arith.constant 0 : i32
    %dma_wait3A_88 = tpu.memref_slice %arg7[%dma_wait3A_86, %dma_wait3A_87] : memref<4x128xi32, #tpu.memory_space<vmem>> -> memref<1x128xi32, #tpu.memory_space<vmem>>
    %dma_wait3A_89 = tpu.memref_squeeze %dma_wait3A_88 : memref<1x128xi32, #tpu.memory_space<vmem>> -> memref<128xi32, #tpu.memory_space<vmem>>
    %dma_wait3A_90 = arith.constant 0 : i32
    %dma_wait3A_91 = arith.constant 0 : i32
    %dma_wait3A_92 = tpu.memref_slice %arg4[%dma_wait3A_90, %dma_wait3A_91] : memref<1000000x128xf32, #tpu.memory_space<hbm>> -> memref<1000000x128xf32, #tpu.memory_space<hbm>>
    tpu.wait_indirect_dma semaphore(%arg11 : memref<!tpu.dma_semaphore, #tpu.memory_space<semaphore_mem>>) src(%dma_wait3A_92 : memref<1000000x128xf32, #tpu.memory_space<hbm>>) dst(%arg9 : memref<128x128xf32, #tpu.memory_space<vmem>>)
    %dma_wait3A_93 = arith.constant 2 : i32
    %dma_wait3A_94 = arith.constant 0 : i32
    %dma_wait3A_95 = tpu.memref_slice %arg8[%dma_wait3A_93, %dma_wait3A_94] : memref<4x128xi32, #tpu.memory_space<vmem>> -> memref<1x128xi32, #tpu.memory_space<vmem>>
    %dma_wait3A_96 = tpu.memref_squeeze %dma_wait3A_95 : memref<1x128xi32, #tpu.memory_space<vmem>> -> memref<128xi32, #tpu.memory_space<vmem>>
    %dma_wait3A_97 = arith.constant 0 : i32
    %dma_wait3A_98 = arith.constant 0 : i32
    %dma_wait3A_99 = tpu.memref_slice %arg4[%dma_wait3A_97, %dma_wait3A_98] : memref<1000000x128xf32, #tpu.memory_space<hbm>> -> memref<1000000x128xf32, #tpu.memory_space<hbm>>
    tpu.wait_indirect_dma semaphore(%arg11 : memref<!tpu.dma_semaphore, #tpu.memory_space<semaphore_mem>>) src(%dma_wait3A_99 : memref<1000000x128xf32, #tpu.memory_space<hbm>>) dst(%arg10 : memref<128x128xf32, #tpu.memory_space<vmem>>)
    "tpu.region"() ({
      %run_scoped3A_128 = tpu.sem_alloc : memref<!tpu.dma_semaphore, #tpu.memory_space<semaphore_mem>>
      %dma_start3A_129 = arith.constant 0 : i32
      %dma_start3A_130 = arith.constant 0 : i32
      %dma_start3A_131 = tpu.memref_slice %arg5[%add3A, %dma_start3A_129, %dma_start3A_130] : memref<32x512x128xf32, #tpu.memory_space<hbm>> -> memref<1x512x128xf32, #tpu.memory_space<hbm>>
      %dma_start3A_132 = tpu.memref_squeeze %dma_start3A_131 : memref<1x512x128xf32, #tpu.memory_space<hbm>> -> memref<512x128xf32, #tpu.memory_space<hbm>>
      %dma_start3A_133 = arith.constant 256 : i32
      %dma_start3A_134 = arith.constant 0 : i32
      %dma_start3A_135 = tpu.memref_slice %dma_start3A_132[%dma_start3A_133, %dma_start3A_134] : memref<512x128xf32, #tpu.memory_space<hbm>> -> memref<128x128xf32, #tpu.memory_space<hbm>>
      %dma_start3A_136 = arith.constant 0 : i32
      %dma_start3A_137 = arith.constant 0 : i32
      %dma_start3A_138 = tpu.memref_slice %arg5[%add3A, %dma_start3A_136, %dma_start3A_137] : memref<32x512x128xf32, #tpu.memory_space<hbm>> -> memref<1x512x128xf32, #tpu.memory_space<hbm>>
      %dma_start3A_139 = tpu.memref_squeeze %dma_start3A_138 : memref<1x512x128xf32, #tpu.memory_space<hbm>> -> memref<512x128xf32, #tpu.memory_space<hbm>>
      %dma_start3A_140 = arith.constant 256 : i32
      %dma_start3A_141 = arith.constant 0 : i32
      %dma_start3A_142 = tpu.memref_slice %dma_start3A_139[%dma_start3A_140, %dma_start3A_141] : memref<512x128xf32, #tpu.memory_space<hbm>> -> memref<128x128xf32, #tpu.memory_space<hbm>>
      tpu.enqueue_dma source(%arg9 : memref<128x128xf32, #tpu.memory_space<vmem>>) target(%dma_start3A_142 : memref<128x128xf32, #tpu.memory_space<hbm>>) target_semaphore(%run_scoped3A_128 : memref<!tpu.dma_semaphore, #tpu.memory_space<semaphore_mem>>)
      %dma_wait3A_143 = arith.constant 0 : i32
      %dma_wait3A_144 = arith.constant 0 : i32
      %dma_wait3A_145 = tpu.memref_slice %arg5[%add3A, %dma_wait3A_143, %dma_wait3A_144] : memref<32x512x128xf32, #tpu.memory_space<hbm>> -> memref<1x512x128xf32, #tpu.memory_space<hbm>>
      %dma_wait3A_146 = tpu.memref_squeeze %dma_wait3A_145 : memref<1x512x128xf32, #tpu.memory_space<hbm>> -> memref<512x128xf32, #tpu.memory_space<hbm>>
      %dma_wait3A_147 = arith.constant 256 : i32
      %dma_wait3A_148 = arith.constant 0 : i32
      %dma_wait3A_149 = tpu.memref_slice %dma_wait3A_146[%dma_wait3A_147, %dma_wait3A_148] : memref<512x128xf32, #tpu.memory_space<hbm>> -> memref<128x128xf32, #tpu.memory_space<hbm>>
      %dma_wait3A_150 = arith.constant 0 : i32
      %dma_wait3A_151 = arith.constant 0 : i32
      %dma_wait3A_152 = tpu.memref_slice %arg5[%add3A, %dma_wait3A_150, %dma_wait3A_151] : memref<32x512x128xf32, #tpu.memory_space<hbm>> -> memref<1x512x128xf32, #tpu.memory_space<hbm>>
      %dma_wait3A_153 = tpu.memref_squeeze %dma_wait3A_152 : memref<1x512x128xf32, #tpu.memory_space<hbm>> -> memref<512x128xf32, #tpu.memory_space<hbm>>
      %dma_wait3A_154 = arith.constant 256 : i32
      %dma_wait3A_155 = arith.constant 0 : i32
      %dma_wait3A_156 = tpu.memref_slice %dma_wait3A_153[%dma_wait3A_154, %dma_wait3A_155] : memref<512x128xf32, #tpu.memory_space<hbm>> -> memref<128x128xf32, #tpu.memory_space<hbm>>
      tpu.wait_dma2 semaphore(%run_scoped3A_128 : memref<!tpu.dma_semaphore, #tpu.memory_space<semaphore_mem>>) src(%arg9 : memref<128x128xf32, #tpu.memory_space<vmem>>) dst(%dma_wait3A_156 : memref<128x128xf32, #tpu.memory_space<hbm>>)
      tpu.yield
    }) : () -> ()
    "tpu.region"() ({
      %run_scoped3A_128 = tpu.sem_alloc : memref<!tpu.dma_semaphore, #tpu.memory_space<semaphore_mem>>
      %dma_start3A_129 = arith.constant 0 : i32
      %dma_start3A_130 = arith.constant 0 : i32
      %dma_start3A_131 = tpu.memref_slice %arg6[%add3A, %dma_start3A_129, %dma_start3A_130] : memref<32x512x128xf32, #tpu.memory_space<hbm>> -> memref<1x512x128xf32, #tpu.memory_space<hbm>>
      %dma_start3A_132 = tpu.memref_squeeze %dma_start3A_131 : memref<1x512x128xf32, #tpu.memory_space<hbm>> -> memref<512x128xf32, #tpu.memory_space<hbm>>
      %dma_start3A_133 = arith.constant 256 : i32
      %dma_start3A_134 = arith.constant 0 : i32
      %dma_start3A_135 = tpu.memref_slice %dma_start3A_132[%dma_start3A_133, %dma_start3A_134] : memref<512x128xf32, #tpu.memory_space<hbm>> -> memref<128x128xf32, #tpu.memory_space<hbm>>
      %dma_start3A_136 = arith.constant 0 : i32
      %dma_start3A_137 = arith.constant 0 : i32
      %dma_start3A_138 = tpu.memref_slice %arg6[%add3A, %dma_start3A_136, %dma_start3A_137] : memref<32x512x128xf32, #tpu.memory_space<hbm>> -> memref<1x512x128xf32, #tpu.memory_space<hbm>>
      %dma_start3A_139 = tpu.memref_squeeze %dma_start3A_138 : memref<1x512x128xf32, #tpu.memory_space<hbm>> -> memref<512x128xf32, #tpu.memory_space<hbm>>
      %dma_start3A_140 = arith.constant 256 : i32
      %dma_start3A_141 = arith.constant 0 : i32
      %dma_start3A_142 = tpu.memref_slice %dma_start3A_139[%dma_start3A_140, %dma_start3A_141] : memref<512x128xf32, #tpu.memory_space<hbm>> -> memref<128x128xf32, #tpu.memory_space<hbm>>
      tpu.enqueue_dma source(%arg10 : memref<128x128xf32, #tpu.memory_space<vmem>>) target(%dma_start3A_142 : memref<128x128xf32, #tpu.memory_space<hbm>>) target_semaphore(%run_scoped3A_128 : memref<!tpu.dma_semaphore, #tpu.memory_space<semaphore_mem>>)
      %dma_wait3A_143 = arith.constant 0 : i32
      %dma_wait3A_144 = arith.constant 0 : i32
      %dma_wait3A_145 = tpu.memref_slice %arg6[%add3A, %dma_wait3A_143, %dma_wait3A_144] : memref<32x512x128xf32, #tpu.memory_space<hbm>> -> memref<1x512x128xf32, #tpu.memory_space<hbm>>
      %dma_wait3A_146 = tpu.memref_squeeze %dma_wait3A_145 : memref<1x512x128xf32, #tpu.memory_space<hbm>> -> memref<512x128xf32, #tpu.memory_space<hbm>>
      %dma_wait3A_147 = arith.constant 256 : i32
      %dma_wait3A_148 = arith.constant 0 : i32
      %dma_wait3A_149 = tpu.memref_slice %dma_wait3A_146[%dma_wait3A_147, %dma_wait3A_148] : memref<512x128xf32, #tpu.memory_space<hbm>> -> memref<128x128xf32, #tpu.memory_space<hbm>>
      %dma_wait3A_150 = arith.constant 0 : i32
      %dma_wait3A_151 = arith.constant 0 : i32
      %dma_wait3A_152 = tpu.memref_slice %arg6[%add3A, %dma_wait3A_150, %dma_wait3A_151] : memref<32x512x128xf32, #tpu.memory_space<hbm>> -> memref<1x512x128xf32, #tpu.memory_space<hbm>>
      %dma_wait3A_153 = tpu.memref_squeeze %dma_wait3A_152 : memref<1x512x128xf32, #tpu.memory_space<hbm>> -> memref<512x128xf32, #tpu.memory_space<hbm>>
      %dma_wait3A_154 = arith.constant 256 : i32
      %dma_wait3A_155 = arith.constant 0 : i32
      %dma_wait3A_156 = tpu.memref_slice %dma_wait3A_153[%dma_wait3A_154, %dma_wait3A_155] : memref<512x128xf32, #tpu.memory_space<hbm>> -> memref<128x128xf32, #tpu.memory_space<hbm>>
      tpu.wait_dma2 semaphore(%run_scoped3A_128 : memref<!tpu.dma_semaphore, #tpu.memory_space<semaphore_mem>>) src(%arg10 : memref<128x128xf32, #tpu.memory_space<vmem>>) dst(%dma_wait3A_156 : memref<128x128xf32, #tpu.memory_space<hbm>>)
      tpu.yield
    }) : () -> ()
    %dma_start3A_100 = arith.constant 3 : i32
    %dma_start3A_101 = arith.constant 0 : i32
    %dma_start3A_102 = tpu.memref_slice %arg7[%dma_start3A_100, %dma_start3A_101] : memref<4x128xi32, #tpu.memory_space<vmem>> -> memref<1x128xi32, #tpu.memory_space<vmem>>
    %dma_start3A_103 = tpu.memref_squeeze %dma_start3A_102 : memref<1x128xi32, #tpu.memory_space<vmem>> -> memref<128xi32, #tpu.memory_space<vmem>>
    %dma_start3A_104 = arith.constant 0 : i32
    %dma_start3A_105 = arith.constant 0 : i32
    %dma_start3A_106 = tpu.memref_slice %arg4[%dma_start3A_104, %dma_start3A_105] : memref<1000000x128xf32, #tpu.memory_space<hbm>> -> memref<1000000x128xf32, #tpu.memory_space<hbm>>
    tpu.enqueue_indirect_dma source(%dma_start3A_106 : memref<1000000x128xf32, #tpu.memory_space<hbm>>) target(%arg9 : memref<128x128xf32, #tpu.memory_space<vmem>>) offsets(%dma_start3A_103 : memref<128xi32, #tpu.memory_space<vmem>>) semaphore(%arg11 : memref<!tpu.dma_semaphore, #tpu.memory_space<semaphore_mem>>)
    %dma_start3A_107 = arith.constant 3 : i32
    %dma_start3A_108 = arith.constant 0 : i32
    %dma_start3A_109 = tpu.memref_slice %arg8[%dma_start3A_107, %dma_start3A_108] : memref<4x128xi32, #tpu.memory_space<vmem>> -> memref<1x128xi32, #tpu.memory_space<vmem>>
    %dma_start3A_110 = tpu.memref_squeeze %dma_start3A_109 : memref<1x128xi32, #tpu.memory_space<vmem>> -> memref<128xi32, #tpu.memory_space<vmem>>
    %dma_start3A_111 = arith.constant 0 : i32
    %dma_start3A_112 = arith.constant 0 : i32
    %dma_start3A_113 = tpu.memref_slice %arg4[%dma_start3A_111, %dma_start3A_112] : memref<1000000x128xf32, #tpu.memory_space<hbm>> -> memref<1000000x128xf32, #tpu.memory_space<hbm>>
    tpu.enqueue_indirect_dma source(%dma_start3A_113 : memref<1000000x128xf32, #tpu.memory_space<hbm>>) target(%arg10 : memref<128x128xf32, #tpu.memory_space<vmem>>) offsets(%dma_start3A_110 : memref<128xi32, #tpu.memory_space<vmem>>) semaphore(%arg11 : memref<!tpu.dma_semaphore, #tpu.memory_space<semaphore_mem>>)
    %dma_wait3A_114 = arith.constant 3 : i32
    %dma_wait3A_115 = arith.constant 0 : i32
    %dma_wait3A_116 = tpu.memref_slice %arg7[%dma_wait3A_114, %dma_wait3A_115] : memref<4x128xi32, #tpu.memory_space<vmem>> -> memref<1x128xi32, #tpu.memory_space<vmem>>
    %dma_wait3A_117 = tpu.memref_squeeze %dma_wait3A_116 : memref<1x128xi32, #tpu.memory_space<vmem>> -> memref<128xi32, #tpu.memory_space<vmem>>
    %dma_wait3A_118 = arith.constant 0 : i32
    %dma_wait3A_119 = arith.constant 0 : i32
    %dma_wait3A_120 = tpu.memref_slice %arg4[%dma_wait3A_118, %dma_wait3A_119] : memref<1000000x128xf32, #tpu.memory_space<hbm>> -> memref<1000000x128xf32, #tpu.memory_space<hbm>>
    tpu.wait_indirect_dma semaphore(%arg11 : memref<!tpu.dma_semaphore, #tpu.memory_space<semaphore_mem>>) src(%dma_wait3A_120 : memref<1000000x128xf32, #tpu.memory_space<hbm>>) dst(%arg9 : memref<128x128xf32, #tpu.memory_space<vmem>>)
    %dma_wait3A_121 = arith.constant 3 : i32
    %dma_wait3A_122 = arith.constant 0 : i32
    %dma_wait3A_123 = tpu.memref_slice %arg8[%dma_wait3A_121, %dma_wait3A_122] : memref<4x128xi32, #tpu.memory_space<vmem>> -> memref<1x128xi32, #tpu.memory_space<vmem>>
    %dma_wait3A_124 = tpu.memref_squeeze %dma_wait3A_123 : memref<1x128xi32, #tpu.memory_space<vmem>> -> memref<128xi32, #tpu.memory_space<vmem>>
    %dma_wait3A_125 = arith.constant 0 : i32
    %dma_wait3A_126 = arith.constant 0 : i32
    %dma_wait3A_127 = tpu.memref_slice %arg4[%dma_wait3A_125, %dma_wait3A_126] : memref<1000000x128xf32, #tpu.memory_space<hbm>> -> memref<1000000x128xf32, #tpu.memory_space<hbm>>
    tpu.wait_indirect_dma semaphore(%arg11 : memref<!tpu.dma_semaphore, #tpu.memory_space<semaphore_mem>>) src(%dma_wait3A_127 : memref<1000000x128xf32, #tpu.memory_space<hbm>>) dst(%arg10 : memref<128x128xf32, #tpu.memory_space<vmem>>)
    "tpu.region"() ({
      %run_scoped3A_128 = tpu.sem_alloc : memref<!tpu.dma_semaphore, #tpu.memory_space<semaphore_mem>>
      %dma_start3A_129 = arith.constant 0 : i32
      %dma_start3A_130 = arith.constant 0 : i32
      %dma_start3A_131 = tpu.memref_slice %arg5[%add3A, %dma_start3A_129, %dma_start3A_130] : memref<32x512x128xf32, #tpu.memory_space<hbm>> -> memref<1x512x128xf32, #tpu.memory_space<hbm>>
      %dma_start3A_132 = tpu.memref_squeeze %dma_start3A_131 : memref<1x512x128xf32, #tpu.memory_space<hbm>> -> memref<512x128xf32, #tpu.memory_space<hbm>>
      %dma_start3A_133 = arith.constant 384 : i32
      %dma_start3A_134 = arith.constant 0 : i32
      %dma_start3A_135 = tpu.memref_slice %dma_start3A_132[%dma_start3A_133, %dma_start3A_134] : memref<512x128xf32, #tpu.memory_space<hbm>> -> memref<128x128xf32, #tpu.memory_space<hbm>>
      %dma_start3A_136 = arith.constant 0 : i32
      %dma_start3A_137 = arith.constant 0 : i32
      %dma_start3A_138 = tpu.memref_slice %arg5[%add3A, %dma_start3A_136, %dma_start3A_137] : memref<32x512x128xf32, #tpu.memory_space<hbm>> -> memref<1x512x128xf32, #tpu.memory_space<hbm>>
      %dma_start3A_139 = tpu.memref_squeeze %dma_start3A_138 : memref<1x512x128xf32, #tpu.memory_space<hbm>> -> memref<512x128xf32, #tpu.memory_space<hbm>>
      %dma_start3A_140 = arith.constant 384 : i32
      %dma_start3A_141 = arith.constant 0 : i32
      %dma_start3A_142 = tpu.memref_slice %dma_start3A_139[%dma_start3A_140, %dma_start3A_141] : memref<512x128xf32, #tpu.memory_space<hbm>> -> memref<128x128xf32, #tpu.memory_space<hbm>>
      tpu.enqueue_dma source(%arg9 : memref<128x128xf32, #tpu.memory_space<vmem>>) target(%dma_start3A_142 : memref<128x128xf32, #tpu.memory_space<hbm>>) target_semaphore(%run_scoped3A_128 : memref<!tpu.dma_semaphore, #tpu.memory_space<semaphore_mem>>)
      %dma_wait3A_143 = arith.constant 0 : i32
      %dma_wait3A_144 = arith.constant 0 : i32
      %dma_wait3A_145 = tpu.memref_slice %arg5[%add3A, %dma_wait3A_143, %dma_wait3A_144] : memref<32x512x128xf32, #tpu.memory_space<hbm>> -> memref<1x512x128xf32, #tpu.memory_space<hbm>>
      %dma_wait3A_146 = tpu.memref_squeeze %dma_wait3A_145 : memref<1x512x128xf32, #tpu.memory_space<hbm>> -> memref<512x128xf32, #tpu.memory_space<hbm>>
      %dma_wait3A_147 = arith.constant 384 : i32
      %dma_wait3A_148 = arith.constant 0 : i32
      %dma_wait3A_149 = tpu.memref_slice %dma_wait3A_146[%dma_wait3A_147, %dma_wait3A_148] : memref<512x128xf32, #tpu.memory_space<hbm>> -> memref<128x128xf32, #tpu.memory_space<hbm>>
      %dma_wait3A_150 = arith.constant 0 : i32
      %dma_wait3A_151 = arith.constant 0 : i32
      %dma_wait3A_152 = tpu.memref_slice %arg5[%add3A, %dma_wait3A_150, %dma_wait3A_151] : memref<32x512x128xf32, #tpu.memory_space<hbm>> -> memref<1x512x128xf32, #tpu.memory_space<hbm>>
      %dma_wait3A_153 = tpu.memref_squeeze %dma_wait3A_152 : memref<1x512x128xf32, #tpu.memory_space<hbm>> -> memref<512x128xf32, #tpu.memory_space<hbm>>
      %dma_wait3A_154 = arith.constant 384 : i32
      %dma_wait3A_155 = arith.constant 0 : i32
      %dma_wait3A_156 = tpu.memref_slice %dma_wait3A_153[%dma_wait3A_154, %dma_wait3A_155] : memref<512x128xf32, #tpu.memory_space<hbm>> -> memref<128x128xf32, #tpu.memory_space<hbm>>
      tpu.wait_dma2 semaphore(%run_scoped3A_128 : memref<!tpu.dma_semaphore, #tpu.memory_space<semaphore_mem>>) src(%arg9 : memref<128x128xf32, #tpu.memory_space<vmem>>) dst(%dma_wait3A_156 : memref<128x128xf32, #tpu.memory_space<hbm>>)
      tpu.yield
    }) : () -> ()
    "tpu.region"() ({
      %run_scoped3A_128 = tpu.sem_alloc : memref<!tpu.dma_semaphore, #tpu.memory_space<semaphore_mem>>
      %dma_start3A_129 = arith.constant 0 : i32
      %dma_start3A_130 = arith.constant 0 : i32
      %dma_start3A_131 = tpu.memref_slice %arg6[%add3A, %dma_start3A_129, %dma_start3A_130] : memref<32x512x128xf32, #tpu.memory_space<hbm>> -> memref<1x512x128xf32, #tpu.memory_space<hbm>>
      %dma_start3A_132 = tpu.memref_squeeze %dma_start3A_131 : memref<1x512x128xf32, #tpu.memory_space<hbm>> -> memref<512x128xf32, #tpu.memory_space<hbm>>
      %dma_start3A_133 = arith.constant 384 : i32
      %dma_start3A_134 = arith.constant 0 : i32
      %dma_start3A_135 = tpu.memref_slice %dma_start3A_132[%dma_start3A_133, %dma_start3A_134] : memref<512x128xf32, #tpu.memory_space<hbm>> -> memref<128x128xf32, #tpu.memory_space<hbm>>
      %dma_start3A_136 = arith.constant 0 : i32
      %dma_start3A_137 = arith.constant 0 : i32
      %dma_start3A_138 = tpu.memref_slice %arg6[%add3A, %dma_start3A_136, %dma_start3A_137] : memref<32x512x128xf32, #tpu.memory_space<hbm>> -> memref<1x512x128xf32, #tpu.memory_space<hbm>>
      %dma_start3A_139 = tpu.memref_squeeze %dma_start3A_138 : memref<1x512x128xf32, #tpu.memory_space<hbm>> -> memref<512x128xf32, #tpu.memory_space<hbm>>
      %dma_start3A_140 = arith.constant 384 : i32
      %dma_start3A_141 = arith.constant 0 : i32
      %dma_start3A_142 = tpu.memref_slice %dma_start3A_139[%dma_start3A_140, %dma_start3A_141] : memref<512x128xf32, #tpu.memory_space<hbm>> -> memref<128x128xf32, #tpu.memory_space<hbm>>
      tpu.enqueue_dma source(%arg10 : memref<128x128xf32, #tpu.memory_space<vmem>>) target(%dma_start3A_142 : memref<128x128xf32, #tpu.memory_space<hbm>>) target_semaphore(%run_scoped3A_128 : memref<!tpu.dma_semaphore, #tpu.memory_space<semaphore_mem>>)
      %dma_wait3A_143 = arith.constant 0 : i32
      %dma_wait3A_144 = arith.constant 0 : i32
      %dma_wait3A_145 = tpu.memref_slice %arg6[%add3A, %dma_wait3A_143, %dma_wait3A_144] : memref<32x512x128xf32, #tpu.memory_space<hbm>> -> memref<1x512x128xf32, #tpu.memory_space<hbm>>
      %dma_wait3A_146 = tpu.memref_squeeze %dma_wait3A_145 : memref<1x512x128xf32, #tpu.memory_space<hbm>> -> memref<512x128xf32, #tpu.memory_space<hbm>>
      %dma_wait3A_147 = arith.constant 384 : i32
      %dma_wait3A_148 = arith.constant 0 : i32
      %dma_wait3A_149 = tpu.memref_slice %dma_wait3A_146[%dma_wait3A_147, %dma_wait3A_148] : memref<512x128xf32, #tpu.memory_space<hbm>> -> memref<128x128xf32, #tpu.memory_space<hbm>>
      %dma_wait3A_150 = arith.constant 0 : i32
      %dma_wait3A_151 = arith.constant 0 : i32
      %dma_wait3A_152 = tpu.memref_slice %arg6[%add3A, %dma_wait3A_150, %dma_wait3A_151] : memref<32x512x128xf32, #tpu.memory_space<hbm>> -> memref<1x512x128xf32, #tpu.memory_space<hbm>>
      %dma_wait3A_153 = tpu.memref_squeeze %dma_wait3A_152 : memref<1x512x128xf32, #tpu.memory_space<hbm>> -> memref<512x128xf32, #tpu.memory_space<hbm>>
      %dma_wait3A_154 = arith.constant 384 : i32
      %dma_wait3A_155 = arith.constant 0 : i32
      %dma_wait3A_156 = tpu.memref_slice %dma_wait3A_153[%dma_wait3A_154, %dma_wait3A_155] : memref<512x128xf32, #tpu.memory_space<hbm>> -> memref<128x128xf32, #tpu.memory_space<hbm>>
      tpu.wait_dma2 semaphore(%run_scoped3A_128 : memref<!tpu.dma_semaphore, #tpu.memory_space<semaphore_mem>>) src(%arg10 : memref<128x128xf32, #tpu.memory_space<vmem>>) dst(%dma_wait3A_156 : memref<128x128xf32, #tpu.memory_space<hbm>>)
      tpu.yield
    }) : () -> ()
    return
  }
}

module attributes {stable_mosaic.version = 14 : i64} {
  func.func @_mlp_body(%arg0: i32, %arg1: memref<1x512x128xf32, #tpu.memory_space<vmem>>, %arg2: memref<1x512x128xf32, #tpu.memory_space<vmem>>, %arg3: memref<32x32xf32, #tpu.memory_space<vmem>>, %arg4: memref<32x32xf32, #tpu.memory_space<vmem>>, %arg5: memref<1x32xf32, #tpu.memory_space<vmem>>, %arg6: memref<32x16xf32, #tpu.memory_space<vmem>>, %arg7: memref<1x16xf32, #tpu.memory_space<vmem>>, %arg8: memref<16x8xf32, #tpu.memory_space<vmem>>, %arg9: memref<1x8xf32, #tpu.memory_space<vmem>>, %arg10: memref<8x1xf32, #tpu.memory_space<vmem>>, %arg11: memref<16x1xf32, #tpu.memory_space<vmem>>, %arg12: memref<1x1xf32, #tpu.memory_space<vmem>>, %arg13: memref<512x1xf32, #tpu.memory_space<vmem>>) attributes {dimension_semantics = [#tpu.dimension_semantics<arbitrary>], iteration_bounds = array<i64: 32>, scalar_prefetch = 0 : i64, scratch_operands = 0 : i64, tpu.core_type = #tpu.core_type<tc>, window_params = [{transform_indices = @transform_0, window_bounds = array<i64: 1, 512, 128>}, {transform_indices = @transform_1, window_bounds = array<i64: 1, 512, 128>}, {pipeline_mode = #tpu.pipeline_mode<synchronous>, transform_indices = @transform_2, window_bounds = array<i64: 32, 32>}, {pipeline_mode = #tpu.pipeline_mode<synchronous>, transform_indices = @transform_3, window_bounds = array<i64: 32, 32>}, {pipeline_mode = #tpu.pipeline_mode<synchronous>, transform_indices = @transform_4, window_bounds = array<i64: 1, 32>}, {pipeline_mode = #tpu.pipeline_mode<synchronous>, transform_indices = @transform_5, window_bounds = array<i64: 32, 16>}, {pipeline_mode = #tpu.pipeline_mode<synchronous>, transform_indices = @transform_6, window_bounds = array<i64: 1, 16>}, {pipeline_mode = #tpu.pipeline_mode<synchronous>, transform_indices = @transform_7, window_bounds = array<i64: 16, 8>}, {pipeline_mode = #tpu.pipeline_mode<synchronous>, transform_indices = @transform_8, window_bounds = array<i64: 1, 8>}, {pipeline_mode = #tpu.pipeline_mode<synchronous>, transform_indices = @transform_9, window_bounds = array<i64: 8, 1>}, {pipeline_mode = #tpu.pipeline_mode<synchronous>, transform_indices = @transform_10, window_bounds = array<i64: 16, 1>}, {pipeline_mode = #tpu.pipeline_mode<synchronous>, transform_indices = @transform_11, window_bounds = array<i64: 1, 1>}, {transform_indices = @transform_12, window_bounds = array<i64: 512, 1>}]} {
    %get3A = arith.constant 0 : index
    %get3A_0 = arith.constant 0 : index
    %get3A_1 = arith.constant 0 : index
    %get3A_2 = vector.load %arg1[%get3A, %get3A_0, %get3A_1] : memref<1x512x128xf32, #tpu.memory_space<vmem>>, vector<1x512x128xf32>
    %get3A_3 = vector.shape_cast %get3A_2 : vector<1x512x128xf32> to vector<512x128xf32>
    %get3A_4 = arith.constant 0 : index
    %get3A_5 = arith.constant 0 : index
    %get3A_6 = arith.constant 0 : index
    %get3A_7 = vector.load %arg2[%get3A_4, %get3A_5, %get3A_6] : memref<1x512x128xf32, #tpu.memory_space<vmem>>, vector<1x512x128xf32>
    %get3A_8 = vector.shape_cast %get3A_7 : vector<1x512x128xf32> to vector<512x128xf32>
    %slice3A = vector.extract_strided_slice %get3A_3 {offsets = [0, 0], sizes = [512, 32], strides = [1, 1]} : vector<512x128xf32> to vector<512x32xf32>
    %slice3A_9 = vector.extract_strided_slice %get3A_8 {offsets = [0, 32], sizes = [512, 32], strides = [1, 1]} : vector<512x128xf32> to vector<512x32xf32>
    %slice3A_10 = vector.extract_strided_slice %get3A_3 {offsets = [0, 64], sizes = [512, 16], strides = [1, 1]} : vector<512x128xf32> to vector<512x16xf32>
    %slice3A_11 = vector.extract_strided_slice %get3A_8 {offsets = [0, 80], sizes = [512, 16], strides = [1, 1]} : vector<512x128xf32> to vector<512x16xf32>
    %get3A_12 = arith.constant 0 : index
    %get3A_13 = arith.constant 0 : index
    %get3A_14 = vector.load %arg3[%get3A_12, %get3A_13] : memref<32x32xf32, #tpu.memory_space<vmem>>, vector<32x32xf32>
    %dot_general3A = arith.constant dense<0.000000e+00> : vector<512x32xf32>
    %dot_general3A_15 = tpu.matmul %slice3A, %get3A_14, %dot_general3A {dimension_numbers = #tpu.dot_dimension_numbers<[1], [0], [0], [1], [0, 0, 1, 1], [], []>, transpose_lhs_hint = false} : vector<512x32xf32>, vector<32x32xf32>, vector<512x32xf32> -> vector<512x32xf32>
    %get3A_16 = arith.constant 0 : index
    %get3A_17 = arith.constant 0 : index
    %get3A_18 = vector.load %arg4[%get3A_16, %get3A_17] : memref<32x32xf32, #tpu.memory_space<vmem>>, vector<32x32xf32>
    %dot_general3A_19 = arith.constant dense<0.000000e+00> : vector<512x32xf32>
    %dot_general3A_20 = tpu.matmul %slice3A_9, %get3A_18, %dot_general3A_19 {dimension_numbers = #tpu.dot_dimension_numbers<[1], [0], [0], [1], [0, 0, 1, 1], [], []>, transpose_lhs_hint = false} : vector<512x32xf32>, vector<32x32xf32>, vector<512x32xf32> -> vector<512x32xf32>
    %add3A = arith.addf %dot_general3A_15, %dot_general3A_20 : vector<512x32xf32>
    %get3A_21 = arith.constant 0 : index
    %get3A_22 = arith.constant 0 : index
    %get3A_23 = vector.load %arg5[%get3A_21, %get3A_22] : memref<1x32xf32, #tpu.memory_space<vmem>>, vector<1x32xf32>
    %add3A_24 = vector.broadcast %get3A_23 : vector<1x32xf32> to vector<512x32xf32>
    %add3A_25 = arith.addf %add3A, %add3A_24 : vector<512x32xf32>
    %max3A = arith.constant 0.000000e+00 : f32
    %max3A_26 = vector.broadcast %max3A : f32 to vector<512x32xf32>
    %max3A_27 = arith.maximumf %add3A_25, %max3A_26 : vector<512x32xf32>
    %get3A_28 = arith.constant 0 : index
    %get3A_29 = arith.constant 0 : index
    %get3A_30 = vector.load %arg6[%get3A_28, %get3A_29] : memref<32x16xf32, #tpu.memory_space<vmem>>, vector<32x16xf32>
    %dot_general3A_31 = arith.constant dense<0.000000e+00> : vector<512x16xf32>
    %dot_general3A_32 = tpu.matmul %max3A_27, %get3A_30, %dot_general3A_31 {dimension_numbers = #tpu.dot_dimension_numbers<[1], [0], [0], [1], [0, 0, 1, 1], [], []>, transpose_lhs_hint = false} : vector<512x32xf32>, vector<32x16xf32>, vector<512x16xf32> -> vector<512x16xf32>
    %get3A_33 = arith.constant 0 : index
    %get3A_34 = arith.constant 0 : index
    %get3A_35 = vector.load %arg7[%get3A_33, %get3A_34] : memref<1x16xf32, #tpu.memory_space<vmem>>, vector<1x16xf32>
    %add3A_36 = vector.broadcast %get3A_35 : vector<1x16xf32> to vector<512x16xf32>
    %add3A_37 = arith.addf %dot_general3A_32, %add3A_36 : vector<512x16xf32>
    %max3A_38 = arith.constant 0.000000e+00 : f32
    %max3A_39 = vector.broadcast %max3A_38 : f32 to vector<512x16xf32>
    %max3A_40 = arith.maximumf %add3A_37, %max3A_39 : vector<512x16xf32>
    %get3A_41 = arith.constant 0 : index
    %get3A_42 = arith.constant 0 : index
    %get3A_43 = vector.load %arg8[%get3A_41, %get3A_42] : memref<16x8xf32, #tpu.memory_space<vmem>>, vector<16x8xf32>
    %dot_general3A_44 = arith.constant dense<0.000000e+00> : vector<512x8xf32>
    %dot_general3A_45 = tpu.matmul %max3A_40, %get3A_43, %dot_general3A_44 {dimension_numbers = #tpu.dot_dimension_numbers<[1], [0], [0], [1], [0, 0, 1, 1], [], []>, transpose_lhs_hint = false} : vector<512x16xf32>, vector<16x8xf32>, vector<512x8xf32> -> vector<512x8xf32>
    %get3A_46 = arith.constant 0 : index
    %get3A_47 = arith.constant 0 : index
    %get3A_48 = vector.load %arg9[%get3A_46, %get3A_47] : memref<1x8xf32, #tpu.memory_space<vmem>>, vector<1x8xf32>
    %add3A_49 = vector.broadcast %get3A_48 : vector<1x8xf32> to vector<512x8xf32>
    %add3A_50 = arith.addf %dot_general3A_45, %add3A_49 : vector<512x8xf32>
    %max3A_51 = arith.constant 0.000000e+00 : f32
    %max3A_52 = vector.broadcast %max3A_51 : f32 to vector<512x8xf32>
    %max3A_53 = arith.maximumf %add3A_50, %max3A_52 : vector<512x8xf32>
    %mul3A = arith.mulf %slice3A_10, %slice3A_11 : vector<512x16xf32>
    %get3A_54 = arith.constant 0 : index
    %get3A_55 = arith.constant 0 : index
    %get3A_56 = vector.load %arg10[%get3A_54, %get3A_55] : memref<8x1xf32, #tpu.memory_space<vmem>>, vector<8x1xf32>
    %dot_general3A_57 = arith.constant dense<0.000000e+00> : vector<512x1xf32>
    %dot_general3A_58 = tpu.matmul %max3A_53, %get3A_56, %dot_general3A_57 {dimension_numbers = #tpu.dot_dimension_numbers<[1], [0], [0], [1], [0, 0, 1, 1], [], []>, transpose_lhs_hint = false} : vector<512x8xf32>, vector<8x1xf32>, vector<512x1xf32> -> vector<512x1xf32>
    %get3A_59 = arith.constant 0 : index
    %get3A_60 = arith.constant 0 : index
    %get3A_61 = vector.load %arg11[%get3A_59, %get3A_60] : memref<16x1xf32, #tpu.memory_space<vmem>>, vector<16x1xf32>
    %dot_general3A_62 = arith.constant dense<0.000000e+00> : vector<512x1xf32>
    %dot_general3A_63 = tpu.matmul %mul3A, %get3A_61, %dot_general3A_62 {dimension_numbers = #tpu.dot_dimension_numbers<[1], [0], [0], [1], [0, 0, 1, 1], [], []>, transpose_lhs_hint = false} : vector<512x16xf32>, vector<16x1xf32>, vector<512x1xf32> -> vector<512x1xf32>
    %add3A_64 = arith.addf %dot_general3A_58, %dot_general3A_63 : vector<512x1xf32>
    %get3A_65 = arith.constant 0 : index
    %get3A_66 = arith.constant 0 : index
    %get3A_67 = vector.load %arg12[%get3A_65, %get3A_66] : memref<1x1xf32, #tpu.memory_space<vmem>>, vector<1x1xf32>
    %add3A_68 = vector.broadcast %get3A_67 : vector<1x1xf32> to vector<512x1xf32>
    %add3A_69 = arith.addf %add3A_64, %add3A_68 : vector<512x1xf32>
    %neg3A = arith.constant 0.000000e+00 : f32
    %neg3A_70 = vector.broadcast %neg3A : f32 to vector<512x1xf32>
    %neg3A_71 = arith.subf %neg3A_70, %add3A_69 : vector<512x1xf32>
    %exp3A = math.exp %neg3A_71 : vector<512x1xf32>
    %add3A_72 = arith.constant 1.000000e+00 : f32
    %add3A_73 = vector.broadcast %add3A_72 : f32 to vector<512x1xf32>
    %add3A_74 = arith.addf %add3A_73, %exp3A : vector<512x1xf32>
    %div3A = arith.constant 1.000000e+00 : f32
    %div3A_75 = vector.broadcast %div3A : f32 to vector<512x1xf32>
    %div3A_76 = arith.divf %div3A_75, %add3A_74 : vector<512x1xf32>
    %swap3A = arith.constant 0 : index
    %swap3A_77 = arith.constant 0 : index
    %swap3A_78 = vector.load %arg13[%swap3A, %swap3A_77] : memref<512x1xf32, #tpu.memory_space<vmem>>, vector<512x1xf32>
    tpu.vector_store %arg13[%swap3A, %swap3A_77], %div3A_76 {strides = array<i32>} : memref<512x1xf32, #tpu.memory_space<vmem>>, vector<512x1xf32>,
    return
  }
  func.func @transform_0(%arg0: i32) -> (i32, i32, i32) {
    %c0_i32 = arith.constant 0 : i32
    %c0_i32_0 = arith.constant 0 : i32
    %c0_i32_1 = arith.constant 0 : i32
    return %arg0, %c0_i32, %c0_i32_0 : i32, i32, i32
  }
  func.func @transform_1(%arg0: i32) -> (i32, i32, i32) {
    %c0_i32 = arith.constant 0 : i32
    %c0_i32_0 = arith.constant 0 : i32
    %c0_i32_1 = arith.constant 0 : i32
    return %arg0, %c0_i32, %c0_i32_0 : i32, i32, i32
  }
  func.func @transform_2(%arg0: i32) -> (i32, i32) {
    %c0_i32 = arith.constant 0 : i32
    %c0_i32_0 = arith.constant 0 : i32
    %c0_i32_1 = arith.constant 0 : i32
    return %c0_i32, %c0_i32_0 : i32, i32
  }
  func.func @transform_3(%arg0: i32) -> (i32, i32) {
    %c0_i32 = arith.constant 0 : i32
    %c0_i32_0 = arith.constant 0 : i32
    %c0_i32_1 = arith.constant 0 : i32
    return %c0_i32, %c0_i32_0 : i32, i32
  }
  func.func @transform_4(%arg0: i32) -> (i32, i32) {
    %c0_i32 = arith.constant 0 : i32
    %c0_i32_0 = arith.constant 0 : i32
    %c0_i32_1 = arith.constant 0 : i32
    return %c0_i32, %c0_i32_0 : i32, i32
  }
  func.func @transform_5(%arg0: i32) -> (i32, i32) {
    %c0_i32 = arith.constant 0 : i32
    %c0_i32_0 = arith.constant 0 : i32
    %c0_i32_1 = arith.constant 0 : i32
    return %c0_i32, %c0_i32_0 : i32, i32
  }
  func.func @transform_6(%arg0: i32) -> (i32, i32) {
    %c0_i32 = arith.constant 0 : i32
    %c0_i32_0 = arith.constant 0 : i32
    %c0_i32_1 = arith.constant 0 : i32
    return %c0_i32, %c0_i32_0 : i32, i32
  }
  func.func @transform_7(%arg0: i32) -> (i32, i32) {
    %c0_i32 = arith.constant 0 : i32
    %c0_i32_0 = arith.constant 0 : i32
    %c0_i32_1 = arith.constant 0 : i32
    return %c0_i32, %c0_i32_0 : i32, i32
  }
  func.func @transform_8(%arg0: i32) -> (i32, i32) {
    %c0_i32 = arith.constant 0 : i32
    %c0_i32_0 = arith.constant 0 : i32
    %c0_i32_1 = arith.constant 0 : i32
    return %c0_i32, %c0_i32_0 : i32, i32
  }
  func.func @transform_9(%arg0: i32) -> (i32, i32) {
    %c0_i32 = arith.constant 0 : i32
    %c0_i32_0 = arith.constant 0 : i32
    %c0_i32_1 = arith.constant 0 : i32
    return %c0_i32, %c0_i32_0 : i32, i32
  }
  func.func @transform_10(%arg0: i32) -> (i32, i32) {
    %c0_i32 = arith.constant 0 : i32
    %c0_i32_0 = arith.constant 0 : i32
    %c0_i32_1 = arith.constant 0 : i32
    return %c0_i32, %c0_i32_0 : i32, i32
  }
  func.func @transform_11(%arg0: i32) -> (i32, i32) {
    %c0_i32 = arith.constant 0 : i32
    %c0_i32_0 = arith.constant 0 : i32
    %c0_i32_1 = arith.constant 0 : i32
    return %c0_i32, %c0_i32_0 : i32, i32
  }
  func.func @transform_12(%arg0: i32) -> (i32, i32) {
    %c0_i32 = arith.constant 0 : i32
    %c0_i32_0 = arith.constant 0 : i32
    return %arg0, %c0_i32 : i32, i32
  }
}

module attributes {stable_mosaic.version = 14 : i64} {
  func.func @_relayout_body(%arg0: i32, %arg1: memref<4x8x16384xf32, #tpu.memory_space<vmem>>, %arg2: memref<4x8x16384xf32, #tpu.memory_space<vmem>>, %arg3: memref<2x8x16384xf32, #tpu.memory_space<vmem>>, %arg4: memref<2x8x16384xf32, #tpu.memory_space<vmem>>, %arg5: memref<96x128xf32, #tpu.memory_space<vmem>>, %arg6: memref<16384x128xf32, #tpu.memory_space<vmem>>) attributes {dimension_semantics = [#tpu.dimension_semantics<arbitrary>], iteration_bounds = array<i64: 62>, scalar_prefetch = 0 : i64, scratch_operands = 0 : i64, tpu.core_type = #tpu.core_type<tc>, window_params = [{transform_indices = @transform_0, window_bounds = array<i64: 4, 8, 16384>}, {transform_indices = @transform_1, window_bounds = array<i64: 4, 8, 16384>}, {transform_indices = @transform_2, window_bounds = array<i64: 2, 8, 16384>}, {transform_indices = @transform_3, window_bounds = array<i64: 2, 8, 16384>}, {pipeline_mode = #tpu.pipeline_mode<synchronous>, transform_indices = @transform_4, window_bounds = array<i64: 96, 128>}, {transform_indices = @transform_5, window_bounds = array<i64: 16384, 128>}]} {
    %get3A = arith.constant 0 : index
    %get3A_0 = arith.constant 0 : index
    %get3A_1 = arith.constant 0 : index
    %get3A_2 = vector.load %arg1[%get3A, %get3A_0, %get3A_1] : memref<4x8x16384xf32, #tpu.memory_space<vmem>>, vector<4x8x16384xf32>
    %reshape3A = vector.shape_cast %get3A_2 : vector<4x8x16384xf32> to vector<32x16384xf32>
    %get3A_3 = arith.constant 0 : index
    %get3A_4 = arith.constant 0 : index
    %get3A_5 = arith.constant 0 : index
    %get3A_6 = vector.load %arg2[%get3A_3, %get3A_4, %get3A_5] : memref<4x8x16384xf32, #tpu.memory_space<vmem>>, vector<4x8x16384xf32>
    %reshape3A_7 = vector.shape_cast %get3A_6 : vector<4x8x16384xf32> to vector<32x16384xf32>
    %get3A_8 = arith.constant 0 : index
    %get3A_9 = arith.constant 0 : index
    %get3A_10 = arith.constant 0 : index
    %get3A_11 = vector.load %arg3[%get3A_8, %get3A_9, %get3A_10] : memref<2x8x16384xf32, #tpu.memory_space<vmem>>, vector<2x8x16384xf32>
    %reshape3A_12 = vector.shape_cast %get3A_11 : vector<2x8x16384xf32> to vector<16x16384xf32>
    %get3A_13 = arith.constant 0 : index
    %get3A_14 = arith.constant 0 : index
    %get3A_15 = arith.constant 0 : index
    %get3A_16 = vector.load %arg4[%get3A_13, %get3A_14, %get3A_15] : memref<2x8x16384xf32, #tpu.memory_space<vmem>>, vector<2x8x16384xf32>
    %reshape3A_17 = vector.shape_cast %get3A_16 : vector<2x8x16384xf32> to vector<16x16384xf32>
    %concatenate3A = tpu.concatenate %reshape3A, %reshape3A_7, %reshape3A_12, %reshape3A_17 in 0 : vector<32x16384xf32>, vector<32x16384xf32>, vector<16x16384xf32>, vector<16x16384xf32> -> vector<96x16384xf32>
    %get3A_18 = arith.constant 0 : index
    %get3A_19 = arith.constant 0 : index
    %get3A_20 = vector.load %arg5[%get3A_18, %get3A_19] : memref<96x128xf32, #tpu.memory_space<vmem>>, vector<96x128xf32>
    %dot_general3A = arith.constant dense<0.000000e+00> : vector<16384x128xf32>
    %dot_general3A_21 = tpu.matmul %concatenate3A, %get3A_20, %dot_general3A {dimension_numbers = #tpu.dot_dimension_numbers<[0], [0], [1], [1], [0, 1, 1, 1], [], []>, transpose_lhs_hint = false} : vector<96x16384xf32>, vector<96x128xf32>, vector<16384x128xf32> -> vector<16384x128xf32>
    %swap3A = arith.constant 0 : index
    %swap3A_22 = arith.constant 0 : index
    %swap3A_23 = vector.load %arg6[%swap3A, %swap3A_22] : memref<16384x128xf32, #tpu.memory_space<vmem>>, vector<16384x128xf32>
    tpu.vector_store %arg6[%swap3A, %swap3A_22], %dot_general3A_21 {strides = array<i32>} : memref<16384x128xf32, #tpu.memory_space<vmem>>, vector<16384x128xf32>,
    return
  }
  func.func @transform_0(%arg0: i32) -> (i32, i32, i32) {
    %c0_i32 = arith.constant 0 : i32
    %c0_i32_0 = arith.constant 0 : i32
    %c0_i32_1 = arith.constant 0 : i32
    return %c0_i32, %c0_i32_0, %arg0 : i32, i32, i32
  }
  func.func @transform_1(%arg0: i32) -> (i32, i32, i32) {
    %c0_i32 = arith.constant 0 : i32
    %c0_i32_0 = arith.constant 0 : i32
    %c0_i32_1 = arith.constant 0 : i32
    return %c0_i32, %c0_i32_0, %arg0 : i32, i32, i32
  }
  func.func @transform_2(%arg0: i32) -> (i32, i32, i32) {
    %c0_i32 = arith.constant 0 : i32
    %c0_i32_0 = arith.constant 0 : i32
    %c0_i32_1 = arith.constant 0 : i32
    return %c0_i32, %c0_i32_0, %arg0 : i32, i32, i32
  }
  func.func @transform_3(%arg0: i32) -> (i32, i32, i32) {
    %c0_i32 = arith.constant 0 : i32
    %c0_i32_0 = arith.constant 0 : i32
    %c0_i32_1 = arith.constant 0 : i32
    return %c0_i32, %c0_i32_0, %arg0 : i32, i32, i32
  }
  func.func @transform_4(%arg0: i32) -> (i32, i32) {
    %c0_i32 = arith.constant 0 : i32
    %c0_i32_0 = arith.constant 0 : i32
    %c0_i32_1 = arith.constant 0 : i32
    return %c0_i32, %c0_i32_0 : i32, i32
  }
  func.func @transform_5(%arg0: i32) -> (i32, i32) {
    %c0_i32 = arith.constant 0 : i32
    %c0_i32_0 = arith.constant 0 : i32
    return %arg0, %c0_i32 : i32, i32
  }
}

</mosaic_0001>

<sc_bundles>
// kernel: kernel.5.cloned.1.call-start
scs
__scs_entry_jumppad:
0x0: {  	(pc) =	sbr.rel $0x88, $3  }
0x1: {  	(tag) =	ssettag $0x0;
	lr =	simm.s32 $0x1  }
0x2: {  	[smem:$0x3F93] =	sst lr;
	_ =	strace $0xD0000000  }
0x3: {  	_ = 	snop  }
0x4: {  	_ = 	snop  }
0x5: {  	_ = 	snop  }
0x6: {  	_ = 	snop  }
0x7: {  	_ = 	snop  }
__scs_overlays_trampoline_lowered:
0x8: {  	[smem:$0x3FA2] =	sst s0  }
0x9: {  	[smem:$0x3FA3] =	sst s1  }
0xa: {  	[smem:$0x3FA4] =	sst s2  }
0xb: {  	[smem:$0x3FA5] =	sst s3  }
0xc: {  	[smem:$0x3FA6] =	sst s4  }
0xd: {  	[smem:$0x3FA7] =	sst s5  }
0xe: {  	[smem:$0x3FA8] =	sst s6  }
0xf: {  	[smem:$0x3FA9] =	sst s7  }
0x10: {  	[smem:$0x3FAA] =	sst s8  }
0x11: {  	[smem:$0x3FAB] =	sst s9;
	s0 =	simm.s32 @!p0 $0x0  }
0x12: {  	s1 =	sld [smem:$0x3F91];
	s0 =	simm.s32 @p0 $0x1  }
0x13: {  	[smem:$0x3FAC] =	sst s0;
	s0 =	simm.s32 @!p1 $0x0  }
0x14: {  	s2 =	sld [smem:$0x3F90];
	s0 =	simm.s32 @p1 $0x1  }
0x15: {  	[smem:$0x3FAD] =	sst s0;
	s0 =	simm.s32 @!p2 $0x0  }
0x16: {  	s3 =	sld [smem:$0x3FDB];
	s0 =	simm.s32 @p2 $0x1  }
0x17: {  	s4 =	simm.s32 $0x1BF5;
	[smem:$0x3FAF] =	sst s0  }
0x18: {  	s0 =	sld [smem:$0x3F92];
	_ =	swait.ge [sflag:s4], $0x0  }
0x19: {  	s7 =	sld [smem:$0x3F93]  }
0x1a: {  	s8 =	sadd.s32 $0xFFFFE003, lr  }
0x1b: {  	s9 =	sadd.s32 $0xFFFFFEF7, lr;
	s5 =	simm.s32 $0xFFFFFFFF;
	p2 =	slt.u32 s8, $0xFFFFF086  }
0x1c: {  	p1 =	slt.u32 s9, $0xF7A;
	s5 =	simm.s32 @!p2 $0x0  }
0x1d: {  	s5 =	simm.s32 @p1 $0x1;
	p0 =	seq.s32 s7, s2  }
0x1e: {  	s7 =	smul.u32 @!p0 $0xF7A, s2;
	p2 =	seq.s32 @!p0 s5, $0x0  }
0x1f: {  	s9 =	smul.u32 $0xF7A, s1;
	s8 =	simm.s32 @!p0 $0x1BF5;
	p2 =	por !p2, p0  }
0x20: {  	[sflag:s8] =	ssyncset.s32 @!p0 $0xFFFFF086;
	s6 =	sadd.s32 @!p0 s3, s7;
	s7 =	simm.s32 @!p0 $0x108  }
0x21: {  	s3 =	sadd.s32 s3, s9;
	s6 =	sadd.s32 @!p0 $0x88, s6;
	s7 =	simm.s32 @p2 $0x1082  }
0x22: {  	[simem:s7], [sflag:s8] =	dma.local @!p0 [hbm:s6], $0xF7A  }
0x23: {  	s9 =	sor.u32 $0xD0000000, s2;
	s6 =	simm.s32 $0x108;
	_ =	swait.ge @!p0 [sflag:s8], $0x0  }
0x24: {  	s3 =	sadd.s32 $0x88, s3;
	s6 =	simm.s32 @!p1 $0x1082;
	[sflag:s4] =	ssyncset.s32 $0xFFFFF086  }
0x25: {  	[simem:s6], [sflag:s4] =	dma.local [hbm:s3], $0xF7A  }
0x26: {  	[smem:$0x3F93] =	sst s1;
	(tag) =	ssettag s2;
	_ =	strace s9  }
0x27: {  	s1 =	sld [smem:$0x3FA3]  }
0x28: {  	s2 =	sld [smem:$0x3FA4]  }
0x29: {  	s4 =	sld [smem:$0x3FA6]  }
0x2a: {  	p0 =	seq.s32 s5, $0x0;
	s5 =	sld [smem:$0x3FA7]  }
0x2b: {  	s6 =	sld [smem:$0x3FA8]  }
0x2c: {  	s7 =	sld [smem:$0x3FA9]  }
0x2d: {  	s3 =	simm.s32 $0x108;
	s8 =	sld [smem:$0x3FAA]  }
0x2e: {  	s3 =	simm.s32 @!p0 $0x1082;
	s9 =	sld [smem:$0x3FAB]  }
0x2f: {  	lr =	sadd.s32 s0, s3;
	s0 =	sld [smem:$0x3FA2]  }
0x30: {  	s3 =	sld [smem:$0x3FA5]  }
0x31: {  	[smem:$0x3FAE] =	sst s10  }
0x32: {  	s10 =	sld [smem:$0x3FAC];
	_ =	sdelay $0x3  }
0x33: {  	p0 =	seq.s32 s10, $0x1;
	s10 =	sld [smem:$0x3FAE];
	_ =	sdelay $0x3  }
0x34: {  	[smem:$0x3FAE] =	sst s10  }
0x35: {  	s10 =	sld [smem:$0x3FAD];
	_ =	sdelay $0x3  }
0x36: {  	p1 =	seq.s32 s10, $0x1;
	s10 =	sld [smem:$0x3FAE];
	_ =	sdelay $0x3  }
0x37: {  	[smem:$0x3FAE] =	sst s10  }
0x38: {  	s10 =	sld [smem:$0x3FAF]  }
0x39: {  	_ = 	snop;
	(pc) =	sbr.ind lr, $3  }
0x3a: {  	_ = 	snop  }
0x3b: {  	_ = 	snop  }
0x3c: {  	p2 =	seq.s32 s10, $0x1;
	s10 =	sld [smem:$0x3FAE]  }
0x3d: {  	_ =	shalt  }
0x3e: {  	_ =	shalt  }
0x3f: {  	_ =	shalt  }
0x40: {  	_ =	shalt  }
0x41: {  	_ =	shalt  }
0x42: {  	_ =	shalt  }
0x43: {  	_ =	shalt  }
0x44: {  	_ =	shalt  }
0x45: {  	_ =	shalt  }
0x46: {  	_ =	shalt  }
0x47: {  	_ =	shalt  }
0x48: {  	_ =	shalt  }
0x49: {  	_ =	shalt  }
0x4a: {  	_ =	shalt  }
0x4b: {  	_ =	shalt  }
0x4c: {  	_ =	shalt  }
0x4d: {  	_ =	shalt  }
0x4e: {  	_ =	shalt  }
0x4f: {  	_ =	shalt  }
0x50: {  	_ =	shalt  }
0x51: {  	_ =	shalt  }
0x52: {  	_ =	shalt  }
0x53: {  	_ =	shalt  }
0x54: {  	_ =	shalt  }
0x55: {  	_ =	shalt  }
0x56: {  	_ =	shalt  }
0x57: {  	_ =	shalt  }
0x58: {  	_ =	shalt  }
0x59: {  	_ =	shalt  }
0x5a: {  	_ =	shalt  }
0x5b: {  	_ =	shalt  }
0x5c: {  	_ =	shalt  }
0x5d: {  	_ =	shalt  }
0x5e: {  	_ =	shalt  }
0x5f: {  	_ =	shalt  }
0x60: {  	_ =	shalt  }
0x61: {  	_ =	shalt  }
0x62: {  	_ =	shalt  }
0x63: {  	_ =	shalt  }
0x64: {  	_ =	shalt  }
0x65: {  	_ =	shalt  }
0x66: {  	_ =	shalt  }
0x67: {  	_ =	shalt  }
0x68: {  	_ =	shalt  }
0x69: {  	_ =	shalt  }
0x6a: {  	_ =	shalt  }
0x6b: {  	_ =	shalt  }
0x6c: {  	_ =	shalt  }
0x6d: {  	_ =	shalt  }
0x6e: {  	_ =	shalt  }
0x6f: {  	_ =	shalt  }
0x70: {  	_ =	shalt  }
0x71: {  	_ =	shalt  }
0x72: {  	_ =	shalt  }
0x73: {  	_ =	shalt  }
0x74: {  	_ =	shalt  }
0x75: {  	_ =	shalt  }
0x76: {  	_ =	shalt  }
0x77: {  	_ =	shalt  }
0x78: {  	_ =	shalt  }
0x79: {  	_ =	shalt  }
0x7a: {  	_ =	shalt  }
0x7b: {  	_ =	shalt  }
0x7c: {  	_ =	shalt  }
0x7d: {  	_ =	shalt  }
0x7e: {  	_ =	shalt  }
0x7f: {  	_ =	shalt  }
0x80: {  	_ =	shalt  }
0x81: {  	_ =	shalt  }
0x82: {  	_ =	shalt  }
0x83: {  	_ =	shalt  }
0x84: {  	_ =	shalt  }
0x85: {  	_ =	shalt  }
0x86: {  	_ =	shalt  }
0x87: {  	_ =	shalt  }
.Lfunc_end0:
.L_simem_size_0:
called_computation_lowered:
.L_overlay_start_0:
0x88: {  	s2 =	sld [smem:$0x3FD9]  }
0x89: {  	s3 =	sld [smem:$0x3FFE];
	_ =	sdelay $0x1  }
0x8a: {  	s1 =	srdreg.scid  }
0x8b: {  	s0 =	sand.u32 $0x1, s1  }
0x8c: {  	s17 =	sshll.u32 s0, $0xA;
	s2 =	sadd.s32 s3, s2  }
0x8d: {  	s2 =	sadd.s32 s2, s17  }
0x8e: {  	[smem:$0x3FBA] =	sst s2  }
0x8f: {  	_ = 	snop  }
0x90: {  	s2 =	sld [smem:$0x3FC9]  }
0x91: {  	s18 =	sld [smem:$0x3FC8];
	(tm) =	ssettm $0x1  }
0x92: {  	s4 =	sld [smem:$0x3FFB];
	_ =	sdelay $0x3  }
0x93: {  	_ =	strace s4  }
0x94: {  	s4 =	sld [smem:$0x3FFC];
	_ =	sdelay $0x3  }
0x95: {  	_ =	strace s4  }
0x96: {  	s4 =	sld [smem:$0x3FFD];
	_ =	sdelay $0x3  }
0x97: {  	_ =	strace s4  }
0x98: {  	_ =	strace $0x8FFFFFFF  }
0x99: {  	s19 =	sld [smem:$0x3FDB];
	_ =	sdelay $0x1  }
0x9a: {  	s5 =	simm.s32 $_scs_section_size  }
0x9b: {  	s6 =	simm.s32 $_size__tile_overlayer_lowered;
	s7 =	simm.s32 $_tile_overlayer_lowered  }
0x9c: {  	s22 =	simm.s32 $0x1BFF;
	s21 =	sshll.u32 s7, $0x1;
	s4 =	sadd.s32 s5, s19  }
0x9d: {  	s8 =	simm.s32 $0x0;
	s20 =	sshll.u32 s6, $0x1;
	s6 =	sadd.s32 s21, s4  }
0x9e: {  	[timem:s8], [sflag:s22] =	dma.local [hbm:s6], s20  }
0x9f: {  	_ =	swait.ge [sflag:s22], s20  }
0xa0: {  	s5 =	ssub.s32 $0x0, s20;
	[sflag:s22] =	ssyncset.done $0x0  }
0xa1: {  	[sflag:s22] =	ssyncadd.s32 s5;
	_ =	sdelay $0x1  }
0xa2: {  	s23 =	simm.s32 $0x1B8B  }
0xa3: {  	_ =	swait.ge [sflag:s23], $0x1  }
0xa4: {  	[sflag:s23] =	ssyncset.done $0x0  }
0xa5: {  	s25 =	simm.s32 $0x1B8E;
	s24 =	sld [smem:$0x3FFE];
	[sflag:s23] =	ssyncadd.s32 $0xFFFFFFFF  }
0xa6: {  	s26 =	simm.s32 $execute0_lowered;
	[smem:$0x3FD2] =	sst s25  }
0xa7: {  	s6 =	sshll.u32 s26, $0x1;
	_ =	strace $0x80000046;
	[dreg:$0x1] =	wrdreg $0xFFFFFFFF  }
0xa8: {  	s28 =	simm.s32 $_size_execute0_lowered;
	s4 =	sadd.s32 s4, s6;
	[dreg:$0x0] =	wrdreg $0x0  }
0xa9: {  	s6 =	sshll.u32 s28, $0x1;
	[dreg:$0x2] =	wrdreg s4  }
0xaa: {  	[dreg:$0x3] =	wrdreg s6  }
0xab: {  	[dreg:$0x4] =	wrdreg $0xC0  }
0xac: {  	_ =	task [dreg:s8], $0x5FFFF  }
0xad: {  	[dreg:$0x1] =	wrdreg $0xFFFFFFFF  }
0xae: {  	[dreg:$0x0] =	wrdreg $0x60  }
0xaf: {  	[dreg:$0x2] =	wrdreg s2  }
0xb0: {  	[dreg:$0x3] =	wrdreg s18  }
0xb1: {  	[dreg:$0x4] =	wrdreg s24  }
0xb2: {  	[dreg:$0x5] =	wrdreg $0x9  }
0xb3: {  	_ =	task.clear_ibuf [dreg:s8], $0x6FFFF;
	_ =	strace $0x90000046  }
0xb4: {  	s29 =	simm.s32 $0x9;
	_ =	strace $0x80000048  }
0xb5: {  	_ =	swait.ge [sflag:s29], $0x1  }
0xb6: {  	[sflag:s29] =	ssyncadd.s32 $0xFFFFFFFF  }
0xb7: {  	_ =	strace $0x90000048  }
0xb8: {  	_ =	sfence  }
0xb9: {  	s30 =	sld [smem:$0x0];
	_ =	sdelay $0x2  }
0xba: {  	s31 =	sshll.u32 s1, $0xD;
	s1 =	sshrl.u32 s1, $0x2  }
0xbb: {  	s3 =	sand.u32 $0x4000, s31;
	s1 =	sadd.s32 s1, s30  }
0xbc: {  	s0 =	sor.u32 s3, s0;
	s1 =	sshll.u32 s1, $0x11  }
0xbd: {  	s0 =	sor.u32 s1, s0  }
0xbe: {  	s0 =	sadd.s32 $0x8F2B, s0  }
0xbf: {  	[sflag:s0] =	ssyncadd.remote.s32 $0x1  }
0xc0: {  	_ =	sfence.sel $0xFFFF  }
0xc1: {  	[dreg:$0x0] =	wrdreg $0xFFFFFFFF;
	(pc) =	sbr.abs _section_cstart, $3  }
0xc2: {  	[dreg:$0x1] =	wrdreg $0xFFFFFFFF  }
0xc3: {  	_ =	task.clear_ibuf [dreg:s8], $0x2FFFF;
	_ =	strace $0x9FFFFFFF  }
0xc4: {  	(tm) =	ssettm $0x7FFFFFFF  }
0xc5: {  	_ =	shalt  }
tec
execute0_lowered:
.L_overlay_start_1:
0x0: {  	(tag) =	ssettag $0x1  }
0x1: {  	s15 =	rddreg [dreg:$0x0]  }
0x2: {  	s1 =	srdreg.scid;
	s0 =	stileid.u32  }
0x3: {  	s17 =	rddreg [dreg:$0x1];
	s1 =	sand.u32 $0x1, s1;
	s3 =	sshll.u32 s0, $0x1  }
0x4: {  	s23 =	rddreg [dreg:$0x2];
	s2 =	simm.s32 $0x0;
	s24 =	sor.u32 s1, s3  }
0x5: {  	[smem:$0x7FF] =	sst s2;
	s16 =	sshll.u32 s24, $0x6  }
0x6: {  	_ =	strace $0x80000047;
	s3 =	simm.s32 $0x2;
	s4 =	sadd.s32 s15, s16  }
0x7: {  	[tilespmem:s2], [sflag:$0x2] =	stream.linear.gather [hbm4b:s4+s2], $0x80, $0x38;
	[tilespmem:$0x8400] =	vst v63  }
0x8: {  	_ =	swait.ge [sflag:s3], $0x80  }
0x9: {  	[sflag:s3] =	ssyncset.done $0x0  }
0xa: {  	s6 =	simm.s32 $0x200;
	s5 =	sadd.s32 s17, s16;
	[sflag:s3] =	ssyncadd.s32 $0xFFFFFF80  }
0xb: {  	[tilespmem:s6], [sflag:$0x2] =	stream.linear.gather [hbm4b:s5+s2], $0x80, $0x38;
	[tilespmem:$0x8400] =	vst v63  }
0xc: {  	_ =	swait.ge [sflag:s3], $0x80  }
0xd: {  	s9 =	sor.u32 $0x10, s16;
	[sflag:s3] =	ssyncset.done $0x0  }
0xe: {  	s8 =	simm.s32 $0x80;
	s7 =	sadd.s32 s15, s9;
	[sflag:s3] =	ssyncadd.s32 $0xFFFFFF80  }
0xf: {  	[tilespmem:s8], [sflag:$0x2] =	stream.linear.gather [hbm4b:s7+s2], $0x80, $0x38;
	[tilespmem:$0x8400] =	vst v63  }
0x10: {  	_ =	swait.ge [sflag:s3], $0x80  }
0x11: {  	[sflag:s3] =	ssyncset.done $0x0  }
0x12: {  	s10 =	simm.s32 $0x280;
	s9 =	sadd.s32 s17, s9;
	[sflag:s3] =	ssyncadd.s32 $0xFFFFFF80  }
0x13: {  	[tilespmem:s10], [sflag:$0x2] =	stream.linear.gather [hbm4b:s9+s2], $0x80, $0x38;
	[tilespmem:$0x8400] =	vst v63  }
0x14: {  	_ =	swait.ge [sflag:s3], $0x80  }
0x15: {  	s13 =	sor.u32 $0x20, s16;
	[sflag:s3] =	ssyncset.done $0x0  }
0x16: {  	s12 =	simm.s32 $0x100;
	s11 =	sadd.s32 s15, s13;
	[sflag:s3] =	ssyncadd.s32 $0xFFFFFF80  }
0x17: {  	[tilespmem:s12], [sflag:$0x2] =	stream.linear.gather [hbm4b:s11+s2], $0x80, $0x38;
	[tilespmem:$0x8400] =	vst v63  }
0x18: {  	_ =	swait.ge [sflag:s3], $0x80  }
0x19: {  	[sflag:s3] =	ssyncset.done $0x0  }
0x1a: {  	s14 =	simm.s32 $0x300;
	s13 =	sadd.s32 s17, s13;
	[sflag:s3] =	ssyncadd.s32 $0xFFFFFF80  }
0x1b: {  	[tilespmem:s14], [sflag:$0x2] =	stream.linear.gather [hbm4b:s13+s2], $0x80, $0x38;
	[tilespmem:$0x8400] =	vst v63  }
0x1c: {  	_ =	swait.ge [sflag:s3], $0x80  }
0x1d: {  	s18 =	sor.u32 $0x30, s16;
	[sflag:s3] =	ssyncset.done $0x0  }
0x1e: {  	s16 =	simm.s32 $0x180;
	s15 =	sadd.s32 s15, s18;
	[sflag:s3] =	ssyncadd.s32 $0xFFFFFF80  }
0x1f: {  	[tilespmem:s16], [sflag:$0x2] =	stream.linear.gather [hbm4b:s15+s2], $0x80, $0x38;
	[tilespmem:$0x8400] =	vst v63  }
0x20: {  	_ =	swait.ge [sflag:s3], $0x80  }
0x21: {  	[sflag:s3] =	ssyncset.done $0x0  }
0x22: {  	s17 =	sadd.s32 s17, s18;
	s18 =	simm.s32 $0x380;
	[sflag:s3] =	ssyncadd.s32 $0xFFFFFF80  }
0x23: {  	[tilespmem:s18], [sflag:$0x2] =	stream.linear.gather [hbm4b:s17+s2], $0x80, $0x38;
	[tilespmem:$0x8400] =	vst v63  }
0x24: {  	_ =	swait.ge [sflag:s3], $0x80  }
0x25: {  	[sflag:s3] =	ssyncset.done $0x0  }
0x26: {  	s20 =	simm.s32 $0x400;
	s19 =	sadd.s32 $0x1A00, s23;
	[sflag:s3] =	ssyncadd.s32 $0xFFFFFF80  }
0x27: {  	[tilespmem:s20], [sflag:$0x1] =	stream.indirect.gather [hbm4b:s19+s8], $0x80, s2, s8, $0xb8;
	[tilespmem:$0x8400] =	vst v63  }
0x28: {  	s21 =	simm.s32 $0x4400;
	s22 =	simm.s32 $0x1  }
0x29: {  	[tilespmem:s21], [sflag:$0x1] =	stream.indirect.gather [hbm4b:s19+s8], $0x80, s6, s8, $0xb8;
	[tilespmem:$0x8400] =	vst v63  }
0x2a: {  	_ =	swait.ge [sflag:s22], $0x4000  }
0x2b: {  	[sflag:s22] =	ssyncset.done $0x0  }
0x2c: {  	[sflag:s22] =	ssyncadd.s32 $0xFFFFC000  }
0x2d: {  	s24 =	sshll.u32 s24, $0xD;
	_ =	swait.ge [sflag:s22], $0x4000  }
0x2e: {  	s24 =	sadd.s32 s24, s23;
	[sflag:s22] =	ssyncset.done $0x0  }
0x2f: {  	s23 =	sadd.s32 $0xF43E00, s24;
	[sflag:s22] =	ssyncadd.s32 $0xFFFFC000  }
0x30: {  	[hbm4b:s23+s2] =	stream.linear.scatter [tilespmem:s20], [sflag:$0x2], $0x4000, $0x38;
	[tilespmem:$0x8400] =	vst v63  }
0x31: {  	_ =	swait.ge [sflag:s3], $0x4000  }
0x32: {  	[sflag:s3] =	ssyncset.done $0x0  }
0x33: {  	s24 =	sadd.s32 $0xF83E00, s24;
	[sflag:s3] =	ssyncadd.s32 $0xFFFFC000  }
0x34: {  	[hbm4b:s24+s2] =	stream.linear.scatter [tilespmem:s21], [sflag:$0x2], $0x4000, $0x38;
	[tilespmem:$0x8400] =	vst v63  }
0x35: {  	_ =	swait.ge [sflag:s3], $0x4000  }
0x36: {  	[sflag:s3] =	ssyncset.done $0x0  }
0x37: {  	[sflag:s3] =	ssyncadd.s32 $0xFFFFC000  }
0x38: {  	[tilespmem:s20], [sflag:$0x1] =	stream.indirect.gather [hbm4b:s19+s8], $0x80, s8, s8, $0xb8;
	[tilespmem:$0x8400] =	vst v63  }
0x39: {  	_ = 	snop  }
0x3a: {  	[tilespmem:s21], [sflag:$0x1] =	stream.indirect.gather [hbm4b:s19+s8], $0x80, s10, s8, $0xb8;
	[tilespmem:$0x8400] =	vst v63  }
0x3b: {  	_ =	swait.ge [sflag:s22], $0x4000  }
0x3c: {  	[sflag:s22] =	ssyncset.done $0x0  }
0x3d: {  	[sflag:s22] =	ssyncadd.s32 $0xFFFFC000  }
0x3e: {  	_ =	swait.ge [sflag:s22], $0x4000  }
0x3f: {  	[sflag:s22] =	ssyncset.done $0x0  }
0x40: {  	s25 =	sadd.s32 $0x800, s23;
	[sflag:s22] =	ssyncadd.s32 $0xFFFFC000  }
0x41: {  	[hbm4b:s25+s2] =	stream.linear.scatter [tilespmem:s20], [sflag:$0x2], $0x4000, $0x38;
	[tilespmem:$0x8400] =	vst v63  }
0x42: {  	_ =	swait.ge [sflag:s3], $0x4000  }
0x43: {  	[sflag:s3] =	ssyncset.done $0x0  }
0x44: {  	s26 =	sadd.s32 $0x800, s24;
	[sflag:s3] =	ssyncadd.s32 $0xFFFFC000  }
0x45: {  	[hbm4b:s26+s2] =	stream.linear.scatter [tilespmem:s21], [sflag:$0x2], $0x4000, $0x38;
	[tilespmem:$0x8400] =	vst v63  }
0x46: {  	_ =	swait.ge [sflag:s3], $0x4000  }
0x47: {  	[sflag:s3] =	ssyncset.done $0x0  }
0x48: {  	[sflag:s3] =	ssyncadd.s32 $0xFFFFC000  }
0x49: {  	[tilespmem:s20], [sflag:$0x1] =	stream.indirect.gather [hbm4b:s19+s8], $0x80, s12, s8, $0xb8;
	[tilespmem:$0x8400] =	vst v63  }
0x4a: {  	_ = 	snop  }
0x4b: {  	[tilespmem:s21], [sflag:$0x1] =	stream.indirect.gather [hbm4b:s19+s8], $0x80, s14, s8, $0xb8;
	[tilespmem:$0x8400] =	vst v63  }
0x4c: {  	_ =	swait.ge [sflag:s22], $0x4000  }
0x4d: {  	[sflag:s22] =	ssyncset.done $0x0  }
0x4e: {  	[sflag:s22] =	ssyncadd.s32 $0xFFFFC000  }
0x4f: {  	_ =	swait.ge [sflag:s22], $0x4000  }
0x50: {  	[sflag:s22] =	ssyncset.done $0x0  }
0x51: {  	s28 =	sadd.s32 $0x1000, s23;
	[sflag:s22] =	ssyncadd.s32 $0xFFFFC000  }
0x52: {  	[hbm4b:s28+s2] =	stream.linear.scatter [tilespmem:s20], [sflag:$0x2], $0x4000, $0x38;
	[tilespmem:$0x8400] =	vst v63  }
0x53: {  	_ =	swait.ge [sflag:s3], $0x4000  }
0x54: {  	[sflag:s3] =	ssyncset.done $0x0  }
0x55: {  	s29 =	sadd.s32 $0x1000, s24;
	[sflag:s3] =	ssyncadd.s32 $0xFFFFC000  }
0x56: {  	[hbm4b:s29+s2] =	stream.linear.scatter [tilespmem:s21], [sflag:$0x2], $0x4000, $0x38;
	[tilespmem:$0x8400] =	vst v63  }
0x57: {  	_ =	swait.ge [sflag:s3], $0x4000  }
0x58: {  	[sflag:s3] =	ssyncset.done $0x0  }
0x59: {  	[sflag:s3] =	ssyncadd.s32 $0xFFFFC000  }
0x5a: {  	[tilespmem:s20], [sflag:$0x1] =	stream.indirect.gather [hbm4b:s19+s8], $0x80, s16, s8, $0xb8;
	[tilespmem:$0x8400] =	vst v63  }
0x5b: {  	_ = 	snop  }
0x5c: {  	[tilespmem:s21], [sflag:$0x1] =	stream.indirect.gather [hbm4b:s19+s8], $0x80, s18, s8, $0xb8;
	[tilespmem:$0x8400] =	vst v63  }
0x5d: {  	_ =	swait.ge [sflag:s22], $0x4000  }
0x5e: {  	[sflag:s22] =	ssyncset.done $0x0  }
0x5f: {  	s1 =	ssub.s32 $0x2, s1;
	[sflag:s22] =	ssyncadd.s32 $0xFFFFC000  }
0x60: {  	s31 =	sshrl.u32 s1, $0x1;
	_ =	swait.ge [sflag:s22], $0x4000  }
0x61: {  	s1 =	ssub.s32 s1, s31;
	[sflag:s22] =	ssyncset.done $0x0  }
0x62: {  	s1 =	smax.u32 s1, $0x1;
	s30 =	sadd.s32 $0x1800, s23;
	[sflag:s22] =	ssyncadd.s32 $0xFFFFC000  }
0x63: {  	[hbm4b:s30+s2] =	stream.linear.scatter [tilespmem:s20], [sflag:$0x2], $0x4000, $0x38;
	[tilespmem:$0x8400] =	vst v63  }
0x64: {  	p0 =	sne.s32 s1, $0x1;
	_ =	swait.ge [sflag:s3], $0x4000  }
.Ltmp0:
0x65: {  	[sflag:s3] =	ssyncset.done $0x0;
	(pc) =	sbr.rel @!p0 .LBB2_2-.Ltmp0, $4  }
0x66: {  	s31 =	sadd.s32 $0x1800, s24;
	[sflag:s3] =	ssyncadd.s32 $0xFFFFC000  }
0x67: {  	[hbm4b:s31+s2] =	stream.linear.scatter [tilespmem:s21], [sflag:$0x2], $0x4000, $0x38;
	[tilespmem:$0x8400] =	vst v63  }
0x68: {  	_ =	swait.ge [sflag:s3], $0x4000  }
0x69: {  	s1 =	sadd.s32 $0xFFFFFFFF, s1;
	[sflag:s3] =	ssyncset.done $0x0  }
.LBB2_1:
0x6a: {  	p0 =	sne.s32 s1, $0x1;
	s1 =	sadd.s32 $0xFFFFFFFF, s1;
	[sflag:s3] =	ssyncadd.s32 $0xFFFFC000  }
0x6b: {  	[tilespmem:s2], [sflag:$0x2] =	stream.linear.gather [hbm4b:s4+s2], $0x80, $0x38;
	[tilespmem:$0x8400] =	vst v63  }
0x6c: {  	_ =	swait.ge [sflag:s3], $0x80  }
0x6d: {  	[sflag:s3] =	ssyncset.done $0x0  }
0x6e: {  	[sflag:s3] =	ssyncadd.s32 $0xFFFFFF80  }
0x6f: {  	[tilespmem:s6], [sflag:$0x2] =	stream.linear.gather [hbm4b:s5+s2], $0x80, $0x38;
	[tilespmem:$0x8400] =	vst v63  }
0x70: {  	_ =	swait.ge [sflag:s3], $0x80  }
0x71: {  	[sflag:s3] =	ssyncset.done $0x0  }
0x72: {  	[sflag:s3] =	ssyncadd.s32 $0xFFFFFF80  }
0x73: {  	[tilespmem:s8], [sflag:$0x2] =	stream.linear.gather [hbm4b:s7+s2], $0x80, $0x38;
	[tilespmem:$0x8400] =	vst v63  }
0x74: {  	_ =	swait.ge [sflag:s3], $0x80  }
0x75: {  	[sflag:s3] =	ssyncset.done $0x0  }
0x76: {  	[sflag:s3] =	ssyncadd.s32 $0xFFFFFF80  }
0x77: {  	[tilespmem:s10], [sflag:$0x2] =	stream.linear.gather [hbm4b:s9+s2], $0x80, $0x38;
	[tilespmem:$0x8400] =	vst v63  }
0x78: {  	_ =	swait.ge [sflag:s3], $0x80  }
0x79: {  	[sflag:s3] =	ssyncset.done $0x0  }
0x7a: {  	[sflag:s3] =	ssyncadd.s32 $0xFFFFFF80  }
0x7b: {  	[tilespmem:s12], [sflag:$0x2] =	stream.linear.gather [hbm4b:s11+s2], $0x80, $0x38;
	[tilespmem:$0x8400] =	vst v63  }
0x7c: {  	_ =	swait.ge [sflag:s3], $0x80  }
0x7d: {  	[sflag:s3] =	ssyncset.done $0x0  }
0x7e: {  	[sflag:s3] =	ssyncadd.s32 $0xFFFFFF80  }
0x7f: {  	[tilespmem:s14], [sflag:$0x2] =	stream.linear.gather [hbm4b:s13+s2], $0x80, $0x38;
	[tilespmem:$0x8400] =	vst v63  }
0x80: {  	_ =	swait.ge [sflag:s3], $0x80  }
0x81: {  	[sflag:s3] =	ssyncset.done $0x0  }
0x82: {  	[sflag:s3] =	ssyncadd.s32 $0xFFFFFF80  }
0x83: {  	[tilespmem:s16], [sflag:$0x2] =	stream.linear.gather [hbm4b:s15+s2], $0x80, $0x38;
	[tilespmem:$0x8400] =	vst v63  }
0x84: {  	_ =	swait.ge [sflag:s3], $0x80  }
0x85: {  	[sflag:s3] =	ssyncset.done $0x0  }
0x86: {  	[sflag:s3] =	ssyncadd.s32 $0xFFFFFF80  }
0x87: {  	[tilespmem:s18], [sflag:$0x2] =	stream.linear.gather [hbm4b:s17+s2], $0x80, $0x38;
	[tilespmem:$0x8400] =	vst v63  }
0x88: {  	_ =	swait.ge [sflag:s3], $0x80  }
0x89: {  	[sflag:s3] =	ssyncset.done $0x0  }
0x8a: {  	[sflag:s3] =	ssyncadd.s32 $0xFFFFFF80  }
0x8b: {  	[tilespmem:s20], [sflag:$0x1] =	stream.indirect.gather [hbm4b:s19+s8], $0x80, s2, s8, $0xb8;
	[tilespmem:$0x8400] =	vst v63  }
0x8c: {  	_ = 	snop  }
0x8d: {  	[tilespmem:s21], [sflag:$0x1] =	stream.indirect.gather [hbm4b:s19+s8], $0x80, s6, s8, $0xb8;
	[tilespmem:$0x8400] =	vst v63  }
0x8e: {  	_ =	swait.ge [sflag:s22], $0x4000  }
0x8f: {  	[sflag:s22] =	ssyncset.done $0x0  }
0x90: {  	[sflag:s22] =	ssyncadd.s32 $0xFFFFC000  }
0x91: {  	_ =	swait.ge [sflag:s22], $0x4000  }
0x92: {  	[sflag:s22] =	ssyncset.done $0x0  }
0x93: {  	[sflag:s22] =	ssyncadd.s32 $0xFFFFC000  }
0x94: {  	[hbm4b:s23+s2] =	stream.linear.scatter [tilespmem:s20], [sflag:$0x2], $0x4000, $0x38;
	[tilespmem:$0x8400] =	vst v63  }
0x95: {  	_ =	swait.ge [sflag:s3], $0x4000  }
0x96: {  	[sflag:s3] =	ssyncset.done $0x0  }
0x97: {  	[sflag:s3] =	ssyncadd.s32 $0xFFFFC000  }
0x98: {  	[hbm4b:s24+s2] =	stream.linear.scatter [tilespmem:s21], [sflag:$0x2], $0x4000, $0x38;
	[tilespmem:$0x8400] =	vst v63  }
0x99: {  	_ =	swait.ge [sflag:s3], $0x4000  }
0x9a: {  	[sflag:s3] =	ssyncset.done $0x0  }
0x9b: {  	[sflag:s3] =	ssyncadd.s32 $0xFFFFC000  }
0x9c: {  	[tilespmem:s20], [sflag:$0x1] =	stream.indirect.gather [hbm4b:s19+s8], $0x80, s8, s8, $0xb8;
	[tilespmem:$0x8400] =	vst v63  }
0x9d: {  	_ = 	snop  }
0x9e: {  	[tilespmem:s21], [sflag:$0x1] =	stream.indirect.gather [hbm4b:s19+s8], $0x80, s10, s8, $0xb8;
	[tilespmem:$0x8400] =	vst v63  }
0x9f: {  	_ =	swait.ge [sflag:s22], $0x4000  }
0xa0: {  	[sflag:s22] =	ssyncset.done $0x0  }
0xa1: {  	[sflag:s22] =	ssyncadd.s32 $0xFFFFC000  }
0xa2: {  	_ =	swait.ge [sflag:s22], $0x4000  }
0xa3: {  	[sflag:s22] =	ssyncset.done $0x0  }
0xa4: {  	[sflag:s22] =	ssyncadd.s32 $0xFFFFC000  }
0xa5: {  	[hbm4b:s25+s2] =	stream.linear.scatter [tilespmem:s20], [sflag:$0x2], $0x4000, $0x38;
	[tilespmem:$0x8400] =	vst v63  }
0xa6: {  	_ =	swait.ge [sflag:s3], $0x4000  }
0xa7: {  	[sflag:s3] =	ssyncset.done $0x0  }
0xa8: {  	[sflag:s3] =	ssyncadd.s32 $0xFFFFC000  }
0xa9: {  	[hbm4b:s26+s2] =	stream.linear.scatter [tilespmem:s21], [sflag:$0x2], $0x4000, $0x38;
	[tilespmem:$0x8400] =	vst v63  }
0xaa: {  	_ =	swait.ge [sflag:s3], $0x4000  }
0xab: {  	[sflag:s3] =	ssyncset.done $0x0  }
0xac: {  	[sflag:s3] =	ssyncadd.s32 $0xFFFFC000  }
0xad: {  	[tilespmem:s20], [sflag:$0x1] =	stream.indirect.gather [hbm4b:s19+s8], $0x80, s12, s8, $0xb8;
	[tilespmem:$0x8400] =	vst v63  }
0xae: {  	_ = 	snop  }
0xaf: {  	[tilespmem:s21], [sflag:$0x1] =	stream.indirect.gather [hbm4b:s19+s8], $0x80, s14, s8, $0xb8;
	[tilespmem:$0x8400] =	vst v63  }
0xb0: {  	_ =	swait.ge [sflag:s22], $0x4000  }
0xb1: {  	[sflag:s22] =	ssyncset.done $0x0  }
0xb2: {  	[sflag:s22] =	ssyncadd.s32 $0xFFFFC000  }
0xb3: {  	_ =	swait.ge [sflag:s22], $0x4000  }
0xb4: {  	[sflag:s22] =	ssyncset.done $0x0  }
0xb5: {  	[sflag:s22] =	ssyncadd.s32 $0xFFFFC000  }
0xb6: {  	[hbm4b:s28+s2] =	stream.linear.scatter [tilespmem:s20], [sflag:$0x2], $0x4000, $0x38;
	[tilespmem:$0x8400] =	vst v63  }
0xb7: {  	_ =	swait.ge [sflag:s3], $0x4000  }
0xb8: {  	[sflag:s3] =	ssyncset.done $0x0  }
0xb9: {  	[sflag:s3] =	ssyncadd.s32 $0xFFFFC000  }
0xba: {  	[hbm4b:s29+s2] =	stream.linear.scatter [tilespmem:s21], [sflag:$0x2], $0x4000, $0x38;
	[tilespmem:$0x8400] =	vst v63  }
0xbb: {  	_ =	swait.ge [sflag:s3], $0x4000  }
0xbc: {  	[sflag:s3] =	ssyncset.done $0x0  }
0xbd: {  	[sflag:s3] =	ssyncadd.s32 $0xFFFFC000  }
0xbe: {  	[tilespmem:s20], [sflag:$0x1] =	stream.indirect.gather [hbm4b:s19+s8], $0x80, s16, s8, $0xb8;
	[tilespmem:$0x8400] =	vst v63  }
0xbf: {  	_ = 	snop  }
0xc0: {  	[tilespmem:s21], [sflag:$0x1] =	stream.indirect.gather [hbm4b:s19+s8], $0x80, s18, s8, $0xb8;
	[tilespmem:$0x8400] =	vst v63  }
0xc1: {  	_ =	swait.ge [sflag:s22], $0x4000  }
0xc2: {  	[sflag:s22] =	ssyncset.done $0x0  }
0xc3: {  	[sflag:s22] =	ssyncadd.s32 $0xFFFFC000  }
0xc4: {  	_ =	swait.ge [sflag:s22], $0x4000  }
0xc5: {  	[sflag:s22] =	ssyncset.done $0x0  }
0xc6: {  	[sflag:s22] =	ssyncadd.s32 $0xFFFFC000  }
0xc7: {  	[hbm4b:s30+s2] =	stream.linear.scatter [tilespmem:s20], [sflag:$0x2], $0x4000, $0x38;
	[tilespmem:$0x8400] =	vst v63  }
0xc8: {  	_ =	swait.ge [sflag:s3], $0x4000  }
.Ltmp1:
0xc9: {  	[sflag:s3] =	ssyncset.done $0x0;
	(pc) =	sbr.rel @p0 .LBB2_1-.Ltmp1, $4  }
0xca: {  	[sflag:s3] =	ssyncadd.s32 $0xFFFFC000  }
0xcb: {  	[hbm4b:s31+s2] =	stream.linear.scatter [tilespmem:s21], [sflag:$0x2], $0x4000, $0x38;
	[tilespmem:$0x8400] =	vst v63  }
0xcc: {  	_ =	swait.ge [sflag:s3], $0x4000  }
0xcd: {  	[sflag:s3] =	ssyncset.done $0x0  }
.LBB2_2:
0xce: {  	[sflag:s3] =	ssyncadd.s32 $0xFFFFC000  }
0xcf: {  	_ =	sfence.sel $0x180000  }
0xd0: {  	[bflag:$0x0] =	sbarrier.arrive $0xFFFF  }
0xd1: {  	_ =	strace $0x90000047  }
0xd2: {  	[bflag:$0x2] =	sbarrier.arrive $0xFFFF  }
0xd3: {  	p0 =	sne.s32 s0, $0x0;
	s0 =	rddreg [dreg:$0x3]  }
0xd4: {  	s0 =	sadd.s32 @!p0 $0x100000, s0  }
0xd5: {  	[sflag:s0] =	ssyncadd.tile.s32 @!p0 $0x1;
	_ =	shalt  }
.Lfunc_end2:
_tile_overlayer_lowered:
.L_overlay_start_2:
0xd6: {  	(tag) =	ssettag $0x2  }
0xd7: {  	s0 =	rddreg [dreg:$0x0];
	s2 =	stileid.u32  }
0xd8: {  	s1 =	rddreg [dreg:$0x1];
	p0 =	sne.s32 s2, $0x0  }
0xd9: {  	s3 =	rddreg [dreg:$0x2];
	[bflag:$0x3] =	sbarrier.arrive $0xFFFF;
	s2 =	simm.s32 @!p0 $0x1C02  }
0xda: {  	[timem:s3], [sflag:s2] =	dma.local @!p0 [hbm:s0], s1  }
0xdb: {  	s0 =	simm.s32 @!p0 $0x2  }
0xdc: {  	_ =	swait.ge @!p0 [sflag:s0], s1  }
0xdd: {  	s1 =	ssub.s32 @!p0 $0x0, s1;
	[sflag:s0] =	ssyncset.done @!p0 $0x0  }
0xde: {  	[sflag:s0] =	ssyncadd.s32 @!p0 s1  }
0xdf: {  	[bflag:$0x3] =	sbarrier.arrive $0xFFFF  }
0xe0: {  	_ =	shalt  }

</sc_bundles>
